<compile_context>
chip_gen: v7x
topology: tpu7x:2x2x1
jax: 0.10.2.dev20260603
libtpu: 0.0.44.dev20260713+nightly
codegen_flags: <defaults>
</compile_context>

<pallas_src>
import functools
import math

import jax
import jax.numpy as jnp
from jax import lax
from jax.experimental import pallas as pl
from jax.experimental.pallas import tpu as pltpu
from jax.experimental.pallas import tpu_sc as plsc

VOCAB = 32128
D = 1024
N_TOK = 4 * 4096
NC, NS = 2, 16
NW = NC * NS
B_PER_W = N_TOK // NW
CHUNK = 32
N_CHUNK = B_PER_W // CHUNK
SCALE = math.sqrt(D)
LANES = 16


NBUF = 3


def _body(table_hbm, ids_hbm, out_hbm, idx_v, rows0, rows1, rows2, gsem0,
          gsem1, gsem2, wsem0, wsem1, wsem2):
    wid = lax.axis_index("s") * NC + lax.axis_index("c")
    rows = (rows0, rows1, rows2)
    gsem = (gsem0, gsem1, gsem2)
    wsem = (wsem0, wsem1, wsem2)

    w_per_row = ids_hbm.shape[1] // B_PER_W
    row = wid // w_per_row
    col = (wid % w_per_row) * B_PER_W
    pltpu.sync_copy(ids_hbm.at[row, pl.ds(col, 128)],
                    idx_v.at[pl.ds(0, 128)])

    def idx_slice(g):
        return idx_v.at[pl.ds(pl.multiple_of(g * CHUNK, CHUNK), CHUNK)]

    def start_gather(g, b):
        return pltpu.async_copy(table_hbm.at[idx_slice(g)], rows[b], gsem[b])

    def scale_chunk(b):
        buf = rows[b]

        @plsc.parallel_loop(0, CHUNK * D // LANES, unroll=8)
        def _(i):
            r = i // (D // LANES)
            c = i % (D // LANES)
            sl = pl.ds(c * LANES, LANES)
            buf[r, sl] = buf[r, sl] * SCALE

    def out_slice(g):
        off = pl.multiple_of(wid * B_PER_W + g * CHUNK, CHUNK)
        return out_hbm.at[pl.ds(off, CHUNK)]

    def wait_write(g, b):
        pltpu.make_async_copy(rows[b], out_slice(g), wsem[b]).wait()

    def chunk_body(g, b, drain=True, prefetch=True):
        if prefetch:
            if drain:
                wait_write(g - 1, (b + 2) % NBUF)
            start_gather(g + 2, (b + 2) % NBUF)
        pltpu.make_async_copy(
            table_hbm.at[idx_slice(g)], rows[b], gsem[b]).wait()
        scale_chunk(b)
        pltpu.async_copy(rows[b], out_slice(g), wsem[b])

    start_gather(0, 0)
    pltpu.sync_copy(ids_hbm.at[row, pl.ds(col + 128, B_PER_W - 128)],
                    idx_v.at[pl.ds(128, B_PER_W - 128)])
    start_gather(1, 1)
    chunk_body(0, 0, drain=False)
    chunk_body(1, 1)

    @pl.loop(2, N_CHUNK - 2, step=NBUF)
    def _(g):
        chunk_body(g, 2)
        chunk_body(g + 1, 0)
        chunk_body(g + 2, 1)

    chunk_body(N_CHUNK - 2, 2, prefetch=False)
    chunk_body(N_CHUNK - 1, 0, prefetch=False)
    wait_write(N_CHUNK - 3, 1)
    wait_write(N_CHUNK - 2, 2)
    wait_write(N_CHUNK - 1, 0)


@functools.partial(jax.jit, static_argnames=())
def kernel(input_ids, token_embedding):
    ids = input_ids
    if ids.dtype != jnp.int32:
        ids = ids.astype(jnp.int32)
    run = pl.kernel(
        _body,
        out_type=jax.ShapeDtypeStruct((N_TOK, D), jnp.float32),
        mesh=plsc.VectorSubcoreMesh(core_axis_name="c", subcore_axis_name="s"),
        scratch_types=[
            pltpu.VMEM((B_PER_W,), jnp.int32),
            pltpu.VMEM((CHUNK, D), jnp.float32),
            pltpu.VMEM((CHUNK, D), jnp.float32),
            pltpu.VMEM((CHUNK, D), jnp.float32),
            pltpu.SemaphoreType.DMA,
            pltpu.SemaphoreType.DMA,
            pltpu.SemaphoreType.DMA,
            pltpu.SemaphoreType.DMA,
            pltpu.SemaphoreType.DMA,
            pltpu.SemaphoreType.DMA,
        ],
    )
    out = run(token_embedding, ids)
    return out.reshape(input_ids.shape[0], input_ids.shape[1], D)

# --- scband reference (transcript-rebuilt; emitter-appended) ---
"""Pipeline reference for scband-input-interface-25108378812584 (READ-ONLY COPY).

The authoritative reference and input builder live on the scoring server;
editing this copy changes nothing except your own understanding.
"""

import jax, jax.numpy as jnp
import numpy as np
import math

VOCAB_SIZE = 32128
D_MODEL = 1024
BATCH = 4
SEQ_LEN = 4096

def setup_inputs(seed: int = 0) -> dict:
    key = jax.random.key(seed)
    k_ids, k_tab = jax.random.split(key)
    input_ids = jax.random.randint(k_ids, (BATCH, SEQ_LEN), 0, VOCAB_SIZE, dtype=jnp.int64 if jax.config.jax_enable_x64 else jnp.int32)
    token_embedding = jax.random.normal(k_tab, (VOCAB_SIZE, D_MODEL), dtype=jnp.float32) * 0.02
    return {"input_ids": input_ids, "token_embedding": token_embedding}

def reference(input_ids, token_embedding):
    # Faithful translation of the InputInterface forward: T5-style token
    # embedding lookup scaled by sqrt(d_model) (classic transformer input interface).
    emb = jnp.take(token_embedding, input_ids, axis=0)  # [B, S, d_model] gather
    emb = emb * math.sqrt(D_MODEL)
    return emb

if __name__ == "__main__":
    import jax
    _d = setup_inputs()
    print(jax.jit(kernel)(*tuple(_d.values())))

</pallas_src>

<mosaic_0001>
#map = affine_map<(d0, d1) -> (0, 0)>
module attributes {stable_mosaic.version = 14 : i64} {
  func.func @_body(%arg0: i32, %arg1: i32, %arg2: memref<32128x1024xf32, #tpu.memory_space<hbm>>, %arg3: memref<4x4096xi32, #tpu.memory_space<hbm>>, %arg4: memref<16384x1024xf32, #tpu.memory_space<hbm>>, %arg5: memref<512xi32, #tpu.memory_space<vmem>>, %arg6: memref<32x1024xf32, #tpu.memory_space<vmem>>, %arg7: memref<32x1024xf32, #tpu.memory_space<vmem>>, %arg8: memref<32x1024xf32, #tpu.memory_space<vmem>>, %arg9: memref<!tpu.dma_semaphore, #tpu.memory_space<semaphore_mem>>, %arg10: memref<!tpu.dma_semaphore, #tpu.memory_space<semaphore_mem>>, %arg11: memref<!tpu.dma_semaphore, #tpu.memory_space<semaphore_mem>>, %arg12: memref<!tpu.dma_semaphore, #tpu.memory_space<semaphore_mem>>, %arg13: memref<!tpu.dma_semaphore, #tpu.memory_space<semaphore_mem>>, %arg14: memref<!tpu.dma_semaphore, #tpu.memory_space<semaphore_mem>>) attributes {dimension_semantics = [#tpu.dimension_semantics<core_parallel>, #tpu.dimension_semantics<subcore_parallel>], iteration_bounds = array<i64: 2, 16>, scalar_prefetch = 0 : i64, scratch_operands = 10 : i64, tpu.core_type = #tpu.core_type<sc_vector_subcore>, window_params = [{transform_indices = #map}, {transform_indices = #map}, {transform_indices = #map}]} {
    %mul3A = arith.constant 2 : i32
    %mul3A_0 = arith.muli %arg1, %mul3A : i32
    %add3A = arith.addi %mul3A_0, %arg0 : i32
    %jit3A = arith.constant 8 : i32
    %div3A = arith.divsi %add3A, %jit3A : i32
    %sign3A = arith.constant 0 : i32
    %sign3A_1 = arith.cmpi sgt, %add3A, %sign3A : i32
    %sign3A_2 = arith.extui %sign3A_1 : i1 to i32
    %sign3A_3 = arith.constant 0 : i32
    %sign3A_4 = arith.cmpi slt, %add3A, %sign3A_3 : i32
    %sign3A_5 = arith.extui %sign3A_4 : i1 to i32
    %sign3A_6 = arith.subi %sign3A_2, %sign3A_5 : i32
    %sign3A_7 = arith.constant 0 : i32
    %sign3A_8 = arith.cmpi sgt, %jit3A, %sign3A_7 : i32
    %sign3A_9 = arith.extui %sign3A_8 : i1 to i32
    %sign3A_10 = arith.constant 0 : i32
    %sign3A_11 = arith.cmpi slt, %jit3A, %sign3A_10 : i32
    %sign3A_12 = arith.extui %sign3A_11 : i1 to i32
    %sign3A_13 = arith.subi %sign3A_9, %sign3A_12 : i32
    %ne3A = arith.cmpi ne, %sign3A_6, %sign3A_13 : i32
    %rem3A = arith.remsi %add3A, %jit3A : i32
    %ne3A_14 = arith.constant 0 : i32
    %ne3A_15 = arith.cmpi ne, %rem3A, %ne3A_14 : i32
    %and3A = arith.andi %ne3A, %ne3A_15 : i1
    %sub3A = arith.constant 1 : i32
    %sub3A_16 = arith.subi %div3A, %sub3A : i32
    %select_n3A = arith.select %and3A, %sub3A_16, %div3A : i32
    %jit3A_17 = arith.constant 8 : i32
    %eq3A = arith.constant 0 : i32
    %eq3A_18 = arith.cmpi eq, %jit3A_17, %eq3A : i32
    %jit3A_19 = arith.constant 1 : i32
    %select_n3A_20 = arith.select %eq3A_18, %jit3A_19, %jit3A_17 : i32
    %rem3A_21 = arith.remsi %add3A, %select_n3A_20 : i32
    %ne3A_22 = arith.constant 0 : i32
    %ne3A_23 = arith.cmpi ne, %rem3A_21, %ne3A_22 : i32
    %lt3A = arith.constant 0 : i32
    %lt3A_24 = arith.cmpi slt, %rem3A_21, %lt3A : i32
    %lt3A_25 = arith.constant 0 : i32
    %lt3A_26 = arith.cmpi slt, %select_n3A_20, %lt3A_25 : i32
    %ne3A_27 = arith.xori %lt3A_24, %lt3A_26 : i1
    %and3A_28 = arith.andi %ne3A_27, %ne3A_23 : i1
    %add3A_29 = arith.addi %rem3A_21, %select_n3A_20 : i32
    %select_n3A_30 = arith.select %and3A_28, %add3A_29, %rem3A_21 : i32
    %mul3A_31 = arith.constant 512 : i32
    %mul3A_32 = arith.muli %select_n3A_30, %mul3A_31 : i32
    "tpu.region"() ({
      %run_scoped3A = tpu.sem_alloc : memref<!tpu.dma_semaphore, #tpu.memory_space<semaphore_mem>>
      %dma_start3A_167 = arith.constant 0 : i32
      %dma_start3A_168 = tpu.memref_slice %arg5[%dma_start3A_167] : memref<512xi32, #tpu.memory_space<vmem>> -> memref<128xi32, #tpu.memory_space<vmem>>
      %dma_start3A_169 = tpu.memref_slice %arg3[%select_n3A, %mul3A_32] : memref<4x4096xi32, #tpu.memory_space<hbm>> -> memref<1x128xi32, #tpu.memory_space<hbm>>
      %dma_start3A_170 = tpu.memref_squeeze %dma_start3A_169 : memref<1x128xi32, #tpu.memory_space<hbm>> -> memref<128xi32, #tpu.memory_space<hbm>>
      %dma_start3A_171 = arith.constant 0 : i32
      %dma_start3A_172 = tpu.memref_slice %arg5[%dma_start3A_171] : memref<512xi32, #tpu.memory_space<vmem>> -> memref<128xi32, #tpu.memory_space<vmem>>
      %dma_start3A_173 = tpu.memref_slice %arg3[%select_n3A, %mul3A_32] : memref<4x4096xi32, #tpu.memory_space<hbm>> -> memref<1x128xi32, #tpu.memory_space<hbm>>
      %dma_start3A_174 = tpu.memref_squeeze %dma_start3A_173 : memref<1x128xi32, #tpu.memory_space<hbm>> -> memref<128xi32, #tpu.memory_space<hbm>>
      tpu.enqueue_dma source(%dma_start3A_174 : memref<128xi32, #tpu.memory_space<hbm>>) target(%dma_start3A_172 : memref<128xi32, #tpu.memory_space<vmem>>) target_semaphore(%run_scoped3A : memref<!tpu.dma_semaphore, #tpu.memory_space<semaphore_mem>>)
      %dma_wait3A_175 = arith.constant 0 : i32
      %dma_wait3A_176 = tpu.memref_slice %arg5[%dma_wait3A_175] : memref<512xi32, #tpu.memory_space<vmem>> -> memref<128xi32, #tpu.memory_space<vmem>>
      %dma_wait3A_177 = tpu.memref_slice %arg3[%select_n3A, %mul3A_32] : memref<4x4096xi32, #tpu.memory_space<hbm>> -> memref<1x128xi32, #tpu.memory_space<hbm>>
      %dma_wait3A_178 = tpu.memref_squeeze %dma_wait3A_177 : memref<1x128xi32, #tpu.memory_space<hbm>> -> memref<128xi32, #tpu.memory_space<hbm>>
      %dma_wait3A_179 = arith.constant 0 : i32
      %dma_wait3A_180 = tpu.memref_slice %arg5[%dma_wait3A_179] : memref<512xi32, #tpu.memory_space<vmem>> -> memref<128xi32, #tpu.memory_space<vmem>>
      %dma_wait3A_181 = tpu.memref_slice %arg3[%select_n3A, %mul3A_32] : memref<4x4096xi32, #tpu.memory_space<hbm>> -> memref<1x128xi32, #tpu.memory_space<hbm>>
      %dma_wait3A_182 = tpu.memref_squeeze %dma_wait3A_181 : memref<1x128xi32, #tpu.memory_space<hbm>> -> memref<128xi32, #tpu.memory_space<hbm>>
      tpu.wait_dma2 semaphore(%run_scoped3A : memref<!tpu.dma_semaphore, #tpu.memory_space<semaphore_mem>>) src(%dma_wait3A_182 : memref<128xi32, #tpu.memory_space<hbm>>) dst(%dma_wait3A_180 : memref<128xi32, #tpu.memory_space<vmem>>)
      tpu.yield
    }) : () -> ()
    %multiple_of3A = arith.constant 0 : i32
    %multiple_of3A_33 = tpu.assume_multiple %multiple_of3A, 32 : i32
    %dma_start3A = tpu.memref_slice %arg5[%multiple_of3A_33] : memref<512xi32, #tpu.memory_space<vmem>> -> memref<32xi32, #tpu.memory_space<vmem>>
    %dma_start3A_34 = arith.constant 0 : i32
    %dma_start3A_35 = arith.constant 0 : i32
    %dma_start3A_36 = tpu.memref_slice %arg2[%dma_start3A_34, %dma_start3A_35] : memref<32128x1024xf32, #tpu.memory_space<hbm>> -> memref<32128x1024xf32, #tpu.memory_space<hbm>>
    tpu.enqueue_indirect_dma source(%dma_start3A_36 : memref<32128x1024xf32, #tpu.memory_space<hbm>>) target(%arg6 : memref<32x1024xf32, #tpu.memory_space<vmem>>) offsets(%dma_start3A : memref<32xi32, #tpu.memory_space<vmem>>) semaphore(%arg9 : memref<!tpu.dma_semaphore, #tpu.memory_space<semaphore_mem>>)
    %add3A_37 = arith.constant 128 : i32
    %add3A_38 = arith.addi %mul3A_32, %add3A_37 : i32
    "tpu.region"() ({
      %run_scoped3A = tpu.sem_alloc : memref<!tpu.dma_semaphore, #tpu.memory_space<semaphore_mem>>
      %dma_start3A_167 = arith.constant 128 : i32
      %dma_start3A_168 = tpu.memref_slice %arg5[%dma_start3A_167] : memref<512xi32, #tpu.memory_space<vmem>> -> memref<384xi32, #tpu.memory_space<vmem>>
      %dma_start3A_169 = tpu.memref_slice %arg3[%select_n3A, %add3A_38] : memref<4x4096xi32, #tpu.memory_space<hbm>> -> memref<1x384xi32, #tpu.memory_space<hbm>>
      %dma_start3A_170 = tpu.memref_squeeze %dma_start3A_169 : memref<1x384xi32, #tpu.memory_space<hbm>> -> memref<384xi32, #tpu.memory_space<hbm>>
      %dma_start3A_171 = arith.constant 128 : i32
      %dma_start3A_172 = tpu.memref_slice %arg5[%dma_start3A_171] : memref<512xi32, #tpu.memory_space<vmem>> -> memref<384xi32, #tpu.memory_space<vmem>>
      %dma_start3A_173 = tpu.memref_slice %arg3[%select_n3A, %add3A_38] : memref<4x4096xi32, #tpu.memory_space<hbm>> -> memref<1x384xi32, #tpu.memory_space<hbm>>
      %dma_start3A_174 = tpu.memref_squeeze %dma_start3A_173 : memref<1x384xi32, #tpu.memory_space<hbm>> -> memref<384xi32, #tpu.memory_space<hbm>>
      tpu.enqueue_dma source(%dma_start3A_174 : memref<384xi32, #tpu.memory_space<hbm>>) target(%dma_start3A_172 : memref<384xi32, #tpu.memory_space<vmem>>) target_semaphore(%run_scoped3A : memref<!tpu.dma_semaphore, #tpu.memory_space<semaphore_mem>>)
      %dma_wait3A_175 = arith.constant 128 : i32
      %dma_wait3A_176 = tpu.memref_slice %arg5[%dma_wait3A_175] : memref<512xi32, #tpu.memory_space<vmem>> -> memref<384xi32, #tpu.memory_space<vmem>>
      %dma_wait3A_177 = tpu.memref_slice %arg3[%select_n3A, %add3A_38] : memref<4x4096xi32, #tpu.memory_space<hbm>> -> memref<1x384xi32, #tpu.memory_space<hbm>>
      %dma_wait3A_178 = tpu.memref_squeeze %dma_wait3A_177 : memref<1x384xi32, #tpu.memory_space<hbm>> -> memref<384xi32, #tpu.memory_space<hbm>>
      %dma_wait3A_179 = arith.constant 128 : i32
      %dma_wait3A_180 = tpu.memref_slice %arg5[%dma_wait3A_179] : memref<512xi32, #tpu.memory_space<vmem>> -> memref<384xi32, #tpu.memory_space<vmem>>
      %dma_wait3A_181 = tpu.memref_slice %arg3[%select_n3A, %add3A_38] : memref<4x4096xi32, #tpu.memory_space<hbm>> -> memref<1x384xi32, #tpu.memory_space<hbm>>
      %dma_wait3A_182 = tpu.memref_squeeze %dma_wait3A_181 : memref<1x384xi32, #tpu.memory_space<hbm>> -> memref<384xi32, #tpu.memory_space<hbm>>
      tpu.wait_dma2 semaphore(%run_scoped3A : memref<!tpu.dma_semaphore, #tpu.memory_space<semaphore_mem>>) src(%dma_wait3A_182 : memref<384xi32, #tpu.memory_space<hbm>>) dst(%dma_wait3A_180 : memref<384xi32, #tpu.memory_space<vmem>>)
      tpu.yield
    }) : () -> ()
    %multiple_of3A_39 = arith.constant 32 : i32
    %multiple_of3A_40 = tpu.assume_multiple %multiple_of3A_39, 32 : i32
    %dma_start3A_41 = tpu.memref_slice %arg5[%multiple_of3A_40] : memref<512xi32, #tpu.memory_space<vmem>> -> memref<32xi32, #tpu.memory_space<vmem>>
    %dma_start3A_42 = arith.constant 0 : i32
    %dma_start3A_43 = arith.constant 0 : i32
    %dma_start3A_44 = tpu.memref_slice %arg2[%dma_start3A_42, %dma_start3A_43] : memref<32128x1024xf32, #tpu.memory_space<hbm>> -> memref<32128x1024xf32, #tpu.memory_space<hbm>>
    tpu.enqueue_indirect_dma source(%dma_start3A_44 : memref<32128x1024xf32, #tpu.memory_space<hbm>>) target(%arg7 : memref<32x1024xf32, #tpu.memory_space<vmem>>) offsets(%dma_start3A_41 : memref<32xi32, #tpu.memory_space<vmem>>) semaphore(%arg10 : memref<!tpu.dma_semaphore, #tpu.memory_space<semaphore_mem>>)
    %multiple_of3A_45 = arith.constant 64 : i32
    %multiple_of3A_46 = tpu.assume_multiple %multiple_of3A_45, 32 : i32
    %dma_start3A_47 = tpu.memref_slice %arg5[%multiple_of3A_46] : memref<512xi32, #tpu.memory_space<vmem>> -> memref<32xi32, #tpu.memory_space<vmem>>
    %dma_start3A_48 = arith.constant 0 : i32
    %dma_start3A_49 = arith.constant 0 : i32
    %dma_start3A_50 = tpu.memref_slice %arg2[%dma_start3A_48, %dma_start3A_49] : memref<32128x1024xf32, #tpu.memory_space<hbm>> -> memref<32128x1024xf32, #tpu.memory_space<hbm>>
    tpu.enqueue_indirect_dma source(%dma_start3A_50 : memref<32128x1024xf32, #tpu.memory_space<hbm>>) target(%arg8 : memref<32x1024xf32, #tpu.memory_space<vmem>>) offsets(%dma_start3A_47 : memref<32xi32, #tpu.memory_space<vmem>>) semaphore(%arg11 : memref<!tpu.dma_semaphore, #tpu.memory_space<semaphore_mem>>)
    %multiple_of3A_51 = arith.constant 0 : i32
    %multiple_of3A_52 = tpu.assume_multiple %multiple_of3A_51, 32 : i32
    %dma_wait3A = tpu.memref_slice %arg5[%multiple_of3A_52] : memref<512xi32, #tpu.memory_space<vmem>> -> memref<32xi32, #tpu.memory_space<vmem>>
    %dma_wait3A_53 = arith.constant 0 : i32
    %dma_wait3A_54 = arith.constant 0 : i32
    %dma_wait3A_55 = tpu.memref_slice %arg2[%dma_wait3A_53, %dma_wait3A_54] : memref<32128x1024xf32, #tpu.memory_space<hbm>> -> memref<32128x1024xf32, #tpu.memory_space<hbm>>
    tpu.wait_indirect_dma semaphore(%arg9 : memref<!tpu.dma_semaphore, #tpu.memory_space<semaphore_mem>>) src(%dma_wait3A_55 : memref<32128x1024xf32, #tpu.memory_space<hbm>>) dst(%arg6 : memref<32x1024xf32, #tpu.memory_space<vmem>>)
    %parallel_loop3A = arith.constant 0 : i32
    %parallel_loop3A_56 = arith.constant 2048 : i32
    %parallel_loop3A_57 = arith.constant 1 : i32
    scf.for %parallel_loop3A_167 = %parallel_loop3A to %parallel_loop3A_56 step %parallel_loop3A_57  : i32 {
      %parallel_loop3A_168 = arith.constant 64 : i32
      %parallel_loop3A_169 = arith.divsi %parallel_loop3A_167, %parallel_loop3A_168 : i32
      %parallel_loop3A_170 = arith.constant 0 : i32
      %parallel_loop3A_171 = arith.cmpi sgt, %parallel_loop3A_167, %parallel_loop3A_170 : i32
      %parallel_loop3A_172 = arith.extui %parallel_loop3A_171 : i1 to i32
      %parallel_loop3A_173 = arith.constant 0 : i32
      %parallel_loop3A_174 = arith.cmpi slt, %parallel_loop3A_167, %parallel_loop3A_173 : i32
      %parallel_loop3A_175 = arith.extui %parallel_loop3A_174 : i1 to i32
      %parallel_loop3A_176 = arith.subi %parallel_loop3A_172, %parallel_loop3A_175 : i32
      %parallel_loop3A_177 = arith.constant 0 : i32
      %parallel_loop3A_178 = arith.cmpi sgt, %parallel_loop3A_168, %parallel_loop3A_177 : i32
      %parallel_loop3A_179 = arith.extui %parallel_loop3A_178 : i1 to i32
      %parallel_loop3A_180 = arith.constant 0 : i32
      %parallel_loop3A_181 = arith.cmpi slt, %parallel_loop3A_168, %parallel_loop3A_180 : i32
      %parallel_loop3A_182 = arith.extui %parallel_loop3A_181 : i1 to i32
      %parallel_loop3A_183 = arith.subi %parallel_loop3A_179, %parallel_loop3A_182 : i32
      %parallel_loop3A_184 = arith.cmpi ne, %parallel_loop3A_176, %parallel_loop3A_183 : i32
      %parallel_loop3A_185 = arith.remsi %parallel_loop3A_167, %parallel_loop3A_168 : i32
      %parallel_loop3A_186 = arith.constant 0 : i32
      %parallel_loop3A_187 = arith.cmpi ne, %parallel_loop3A_185, %parallel_loop3A_186 : i32
      %parallel_loop3A_188 = arith.andi %parallel_loop3A_184, %parallel_loop3A_187 : i1
      %parallel_loop3A_189 = arith.constant 1 : i32
      %parallel_loop3A_190 = arith.subi %parallel_loop3A_169, %parallel_loop3A_189 : i32
      %parallel_loop3A_191 = arith.select %parallel_loop3A_188, %parallel_loop3A_190, %parallel_loop3A_169 : i32
      %parallel_loop3A_192 = arith.constant 64 : i32
      %parallel_loop3A_193 = arith.constant 0 : i32
      %parallel_loop3A_194 = arith.cmpi eq, %parallel_loop3A_192, %parallel_loop3A_193 : i32
      %parallel_loop3A_195 = arith.constant 1 : i32
      %parallel_loop3A_196 = arith.select %parallel_loop3A_194, %parallel_loop3A_195, %parallel_loop3A_192 : i32
      %parallel_loop3A_197 = arith.remsi %parallel_loop3A_167, %parallel_loop3A_196 : i32
      %parallel_loop3A_198 = arith.constant 0 : i32
      %parallel_loop3A_199 = arith.cmpi ne, %parallel_loop3A_197, %parallel_loop3A_198 : i32
      %parallel_loop3A_200 = arith.constant 0 : i32
      %parallel_loop3A_201 = arith.cmpi slt, %parallel_loop3A_197, %parallel_loop3A_200 : i32
      %parallel_loop3A_202 = arith.constant 0 : i32
      %parallel_loop3A_203 = arith.cmpi slt, %parallel_loop3A_196, %parallel_loop3A_202 : i32
      %parallel_loop3A_204 = arith.xori %parallel_loop3A_201, %parallel_loop3A_203 : i1
      %parallel_loop3A_205 = arith.andi %parallel_loop3A_204, %parallel_loop3A_199 : i1
      %parallel_loop3A_206 = arith.addi %parallel_loop3A_197, %parallel_loop3A_196 : i32
      %parallel_loop3A_207 = arith.select %parallel_loop3A_205, %parallel_loop3A_206, %parallel_loop3A_197 : i32
      %parallel_loop3A_208 = arith.constant 16 : i32
      %parallel_loop3A_209 = arith.muli %parallel_loop3A_207, %parallel_loop3A_208 : i32
      %parallel_loop3A_210 = arith.index_cast %parallel_loop3A_191 : i32 to index
      %parallel_loop3A_211 = arith.index_cast %parallel_loop3A_209 : i32 to index
      %parallel_loop3A_212 = tpu.vector_load %arg6[%parallel_loop3A_210, %parallel_loop3A_211] {strides = array<i32>} : memref<32x1024xf32, #tpu.memory_space<vmem>>, vector<1x16xf32>,
      %parallel_loop3A_213 = vector.shape_cast %parallel_loop3A_212 : vector<1x16xf32> to vector<16xf32>
      %parallel_loop3A_214 = arith.constant 3.200000e+01 : f32
      %parallel_loop3A_215 = vector.broadcast %parallel_loop3A_214 : f32 to vector<16xf32>
      %parallel_loop3A_216 = arith.mulf %parallel_loop3A_213, %parallel_loop3A_215 : vector<16xf32>
      %parallel_loop3A_217 = arith.index_cast %parallel_loop3A_191 : i32 to index
      %parallel_loop3A_218 = arith.index_cast %parallel_loop3A_209 : i32 to index
      %parallel_loop3A_219 = tpu.vector_load %arg6[%parallel_loop3A_217, %parallel_loop3A_218] {strides = array<i32>} : memref<32x1024xf32, #tpu.memory_space<vmem>>, vector<1x16xf32>,
      %parallel_loop3A_220 = vector.shape_cast %parallel_loop3A_219 : vector<1x16xf32> to vector<16xf32>
      %parallel_loop3A_221 = vector.shape_cast %parallel_loop3A_216 : vector<16xf32> to vector<1x16xf32>
      tpu.vector_store %arg6[%parallel_loop3A_217, %parallel_loop3A_218], %parallel_loop3A_221 {strides = array<i32>} : memref<32x1024xf32, #tpu.memory_space<vmem>>, vector<1x16xf32>,
    } {sc.loop_unroll_factor = 8 : i64, sc.parallel_access}
    %mul3A_58 = arith.constant 512 : i32
    %mul3A_59 = arith.muli %add3A, %mul3A_58 : i32
    %add3A_60 = arith.constant 0 : i32
    %add3A_61 = arith.addi %mul3A_59, %add3A_60 : i32
    %multiple_of3A_62 = tpu.assume_multiple %add3A_61, 32 : i32
    %dma_start3A_63 = arith.constant 0 : i32
    %dma_start3A_64 = tpu.memref_slice %arg4[%multiple_of3A_62, %dma_start3A_63] : memref<16384x1024xf32, #tpu.memory_space<hbm>> -> memref<32x1024xf32, #tpu.memory_space<hbm>>
    %dma_start3A_65 = arith.constant 0 : i32
    %dma_start3A_66 = tpu.memref_slice %arg4[%multiple_of3A_62, %dma_start3A_65] : memref<16384x1024xf32, #tpu.memory_space<hbm>> -> memref<32x1024xf32, #tpu.memory_space<hbm>>
    tpu.enqueue_dma source(%arg6 : memref<32x1024xf32, #tpu.memory_space<vmem>>) target(%dma_start3A_66 : memref<32x1024xf32, #tpu.memory_space<hbm>>) target_semaphore(%arg12 : memref<!tpu.dma_semaphore, #tpu.memory_space<semaphore_mem>>)
    %mul3A_67 = arith.constant 512 : i32
    %mul3A_68 = arith.muli %add3A, %mul3A_67 : i32
    %add3A_69 = arith.constant 0 : i32
    %add3A_70 = arith.addi %mul3A_68, %add3A_69 : i32
    %multiple_of3A_71 = tpu.assume_multiple %add3A_70, 32 : i32
    %dma_wait3A_72 = arith.constant 0 : i32
    %dma_wait3A_73 = tpu.memref_slice %arg4[%multiple_of3A_71, %dma_wait3A_72] : memref<16384x1024xf32, #tpu.memory_space<hbm>> -> memref<32x1024xf32, #tpu.memory_space<hbm>>
    %dma_wait3A_74 = arith.constant 0 : i32
    %dma_wait3A_75 = tpu.memref_slice %arg4[%multiple_of3A_71, %dma_wait3A_74] : memref<16384x1024xf32, #tpu.memory_space<hbm>> -> memref<32x1024xf32, #tpu.memory_space<hbm>>
    tpu.wait_dma2 semaphore(%arg12 : memref<!tpu.dma_semaphore, #tpu.memory_space<semaphore_mem>>) src(%arg6 : memref<32x1024xf32, #tpu.memory_space<vmem>>) dst(%dma_wait3A_75 : memref<32x1024xf32, #tpu.memory_space<hbm>>)
    %multiple_of3A_76 = arith.constant 96 : i32
    %multiple_of3A_77 = tpu.assume_multiple %multiple_of3A_76, 32 : i32
    %dma_start3A_78 = tpu.memref_slice %arg5[%multiple_of3A_77] : memref<512xi32, #tpu.memory_space<vmem>> -> memref<32xi32, #tpu.memory_space<vmem>>
    %dma_start3A_79 = arith.constant 0 : i32
    %dma_start3A_80 = arith.constant 0 : i32
    %dma_start3A_81 = tpu.memref_slice %arg2[%dma_start3A_79, %dma_start3A_80] : memref<32128x1024xf32, #tpu.memory_space<hbm>> -> memref<32128x1024xf32, #tpu.memory_space<hbm>>
    tpu.enqueue_indirect_dma source(%dma_start3A_81 : memref<32128x1024xf32, #tpu.memory_space<hbm>>) target(%arg6 : memref<32x1024xf32, #tpu.memory_space<vmem>>) offsets(%dma_start3A_78 : memref<32xi32, #tpu.memory_space<vmem>>) semaphore(%arg9 : memref<!tpu.dma_semaphore, #tpu.memory_space<semaphore_mem>>)
    %multiple_of3A_82 = arith.constant 32 : i32
    %multiple_of3A_83 = tpu.assume_multiple %multiple_of3A_82, 32 : i32
    %dma_wait3A_84 = tpu.memref_slice %arg5[%multiple_of3A_83] : memref<512xi32, #tpu.memory_space<vmem>> -> memref<32xi32, #tpu.memory_space<vmem>>
    %dma_wait3A_85 = arith.constant 0 : i32
    %dma_wait3A_86 = arith.constant 0 : i32
    %dma_wait3A_87 = tpu.memref_slice %arg2[%dma_wait3A_85, %dma_wait3A_86] : memref<32128x1024xf32, #tpu.memory_space<hbm>> -> memref<32128x1024xf32, #tpu.memory_space<hbm>>
    tpu.wait_indirect_dma semaphore(%arg10 : memref<!tpu.dma_semaphore, #tpu.memory_space<semaphore_mem>>) src(%dma_wait3A_87 : memref<32128x1024xf32, #tpu.memory_space<hbm>>) dst(%arg7 : memref<32x1024xf32, #tpu.memory_space<vmem>>)
    %parallel_loop3A_88 = arith.constant 0 : i32
    %parallel_loop3A_89 = arith.constant 2048 : i32
    %parallel_loop3A_90 = arith.constant 1 : i32
    scf.for %parallel_loop3A_167 = %parallel_loop3A_88 to %parallel_loop3A_89 step %parallel_loop3A_90  : i32 {
      %parallel_loop3A_168 = arith.constant 64 : i32
      %parallel_loop3A_169 = arith.divsi %parallel_loop3A_167, %parallel_loop3A_168 : i32
      %parallel_loop3A_170 = arith.constant 0 : i32
      %parallel_loop3A_171 = arith.cmpi sgt, %parallel_loop3A_167, %parallel_loop3A_170 : i32
      %parallel_loop3A_172 = arith.extui %parallel_loop3A_171 : i1 to i32
      %parallel_loop3A_173 = arith.constant 0 : i32
      %parallel_loop3A_174 = arith.cmpi slt, %parallel_loop3A_167, %parallel_loop3A_173 : i32
      %parallel_loop3A_175 = arith.extui %parallel_loop3A_174 : i1 to i32
      %parallel_loop3A_176 = arith.subi %parallel_loop3A_172, %parallel_loop3A_175 : i32
      %parallel_loop3A_177 = arith.constant 0 : i32
      %parallel_loop3A_178 = arith.cmpi sgt, %parallel_loop3A_168, %parallel_loop3A_177 : i32
      %parallel_loop3A_179 = arith.extui %parallel_loop3A_178 : i1 to i32
      %parallel_loop3A_180 = arith.constant 0 : i32
      %parallel_loop3A_181 = arith.cmpi slt, %parallel_loop3A_168, %parallel_loop3A_180 : i32
      %parallel_loop3A_182 = arith.extui %parallel_loop3A_181 : i1 to i32
      %parallel_loop3A_183 = arith.subi %parallel_loop3A_179, %parallel_loop3A_182 : i32
      %parallel_loop3A_184 = arith.cmpi ne, %parallel_loop3A_176, %parallel_loop3A_183 : i32
      %parallel_loop3A_185 = arith.remsi %parallel_loop3A_167, %parallel_loop3A_168 : i32
      %parallel_loop3A_186 = arith.constant 0 : i32
      %parallel_loop3A_187 = arith.cmpi ne, %parallel_loop3A_185, %parallel_loop3A_186 : i32
      %parallel_loop3A_188 = arith.andi %parallel_loop3A_184, %parallel_loop3A_187 : i1
      %parallel_loop3A_189 = arith.constant 1 : i32
      %parallel_loop3A_190 = arith.subi %parallel_loop3A_169, %parallel_loop3A_189 : i32
      %parallel_loop3A_191 = arith.select %parallel_loop3A_188, %parallel_loop3A_190, %parallel_loop3A_169 : i32
      %parallel_loop3A_192 = arith.constant 64 : i32
      %parallel_loop3A_193 = arith.constant 0 : i32
      %parallel_loop3A_194 = arith.cmpi eq, %parallel_loop3A_192, %parallel_loop3A_193 : i32
      %parallel_loop3A_195 = arith.constant 1 : i32
      %parallel_loop3A_196 = arith.select %parallel_loop3A_194, %parallel_loop3A_195, %parallel_loop3A_192 : i32
      %parallel_loop3A_197 = arith.remsi %parallel_loop3A_167, %parallel_loop3A_196 : i32
      %parallel_loop3A_198 = arith.constant 0 : i32
      %parallel_loop3A_199 = arith.cmpi ne, %parallel_loop3A_197, %parallel_loop3A_198 : i32
      %parallel_loop3A_200 = arith.constant 0 : i32
      %parallel_loop3A_201 = arith.cmpi slt, %parallel_loop3A_197, %parallel_loop3A_200 : i32
      %parallel_loop3A_202 = arith.constant 0 : i32
      %parallel_loop3A_203 = arith.cmpi slt, %parallel_loop3A_196, %parallel_loop3A_202 : i32
      %parallel_loop3A_204 = arith.xori %parallel_loop3A_201, %parallel_loop3A_203 : i1
      %parallel_loop3A_205 = arith.andi %parallel_loop3A_204, %parallel_loop3A_199 : i1
      %parallel_loop3A_206 = arith.addi %parallel_loop3A_197, %parallel_loop3A_196 : i32
      %parallel_loop3A_207 = arith.select %parallel_loop3A_205, %parallel_loop3A_206, %parallel_loop3A_197 : i32
      %parallel_loop3A_208 = arith.constant 16 : i32
      %parallel_loop3A_209 = arith.muli %parallel_loop3A_207, %parallel_loop3A_208 : i32
      %parallel_loop3A_210 = arith.index_cast %parallel_loop3A_191 : i32 to index
      %parallel_loop3A_211 = arith.index_cast %parallel_loop3A_209 : i32 to index
      %parallel_loop3A_212 = tpu.vector_load %arg7[%parallel_loop3A_210, %parallel_loop3A_211] {strides = array<i32>} : memref<32x1024xf32, #tpu.memory_space<vmem>>, vector<1x16xf32>,
      %parallel_loop3A_213 = vector.shape_cast %parallel_loop3A_212 : vector<1x16xf32> to vector<16xf32>
      %parallel_loop3A_214 = arith.constant 3.200000e+01 : f32
      %parallel_loop3A_215 = vector.broadcast %parallel_loop3A_214 : f32 to vector<16xf32>
      %parallel_loop3A_216 = arith.mulf %parallel_loop3A_213, %parallel_loop3A_215 : vector<16xf32>
      %parallel_loop3A_217 = arith.index_cast %parallel_loop3A_191 : i32 to index
      %parallel_loop3A_218 = arith.index_cast %parallel_loop3A_209 : i32 to index
      %parallel_loop3A_219 = tpu.vector_load %arg7[%parallel_loop3A_217, %parallel_loop3A_218] {strides = array<i32>} : memref<32x1024xf32, #tpu.memory_space<vmem>>, vector<1x16xf32>,
      %parallel_loop3A_220 = vector.shape_cast %parallel_loop3A_219 : vector<1x16xf32> to vector<16xf32>
      %parallel_loop3A_221 = vector.shape_cast %parallel_loop3A_216 : vector<16xf32> to vector<1x16xf32>
      tpu.vector_store %arg7[%parallel_loop3A_217, %parallel_loop3A_218], %parallel_loop3A_221 {strides = array<i32>} : memref<32x1024xf32, #tpu.memory_space<vmem>>, vector<1x16xf32>,
    } {sc.loop_unroll_factor = 8 : i64, sc.parallel_access}
    %mul3A_91 = arith.constant 512 : i32
    %mul3A_92 = arith.muli %add3A, %mul3A_91 : i32
    %add3A_93 = arith.constant 32 : i32
    %add3A_94 = arith.addi %mul3A_92, %add3A_93 : i32
    %multiple_of3A_95 = tpu.assume_multiple %add3A_94, 32 : i32
    %dma_start3A_96 = arith.constant 0 : i32
    %dma_start3A_97 = tpu.memref_slice %arg4[%multiple_of3A_95, %dma_start3A_96] : memref<16384x1024xf32, #tpu.memory_space<hbm>> -> memref<32x1024xf32, #tpu.memory_space<hbm>>
    %dma_start3A_98 = arith.constant 0 : i32
    %dma_start3A_99 = tpu.memref_slice %arg4[%multiple_of3A_95, %dma_start3A_98] : memref<16384x1024xf32, #tpu.memory_space<hbm>> -> memref<32x1024xf32, #tpu.memory_space<hbm>>
    tpu.enqueue_dma source(%arg7 : memref<32x1024xf32, #tpu.memory_space<vmem>>) target(%dma_start3A_99 : memref<32x1024xf32, #tpu.memory_space<hbm>>) target_semaphore(%arg13 : memref<!tpu.dma_semaphore, #tpu.memory_space<semaphore_mem>>)
    %scan3A = arith.constant 0 : i32
    %scan3A_100 = arith.constant 4 : i32
    %scan3A_101 = arith.addi %scan3A, %scan3A_100 : i32
    %scan3A_102 = arith.constant 1 : i32
    scf.for %scan3A_167 = %scan3A to %scan3A_101 step %scan3A_102  : i32 {
      %mul3A_168 = arith.constant 3 : i32
      %mul3A_169 = arith.muli %scan3A_167, %mul3A_168 : i32
      %add3A_170 = arith.constant 2 : i32
      %add3A_171 = arith.addi %add3A_170, %mul3A_169 : i32
      %sub3A_172 = arith.constant 1 : i32
      %sub3A_173 = arith.subi %add3A_171, %sub3A_172 : i32
      %mul3A_174 = arith.constant 512 : i32
      %mul3A_175 = arith.muli %add3A, %mul3A_174 : i32
      %mul3A_176 = arith.constant 32 : i32
      %mul3A_177 = arith.muli %sub3A_173, %mul3A_176 : i32
      %add3A_178 = arith.addi %mul3A_175, %mul3A_177 : i32
      %multiple_of3A_179 = tpu.assume_multiple %add3A_178, 32 : i32
      %dma_wait3A_180 = arith.constant 0 : i32
      %dma_wait3A_181 = tpu.memref_slice %arg4[%multiple_of3A_179, %dma_wait3A_180] : memref<16384x1024xf32, #tpu.memory_space<hbm>> -> memref<32x1024xf32, #tpu.memory_space<hbm>>
      %dma_wait3A_182 = arith.constant 0 : i32
      %dma_wait3A_183 = tpu.memref_slice %arg4[%multiple_of3A_179, %dma_wait3A_182] : memref<16384x1024xf32, #tpu.memory_space<hbm>> -> memref<32x1024xf32, #tpu.memory_space<hbm>>
      tpu.wait_dma2 semaphore(%arg13 : memref<!tpu.dma_semaphore, #tpu.memory_space<semaphore_mem>>) src(%arg7 : memref<32x1024xf32, #tpu.memory_space<vmem>>) dst(%dma_wait3A_183 : memref<32x1024xf32, #tpu.memory_space<hbm>>)
      %add3A_184 = arith.constant 2 : i32
      %add3A_185 = arith.addi %add3A_171, %add3A_184 : i32
      %mul3A_186 = arith.constant 32 : i32
      %mul3A_187 = arith.muli %add3A_185, %mul3A_186 : i32
      %multiple_of3A_188 = tpu.assume_multiple %mul3A_187, 32 : i32
      %dma_start3A_189 = tpu.memref_slice %arg5[%multiple_of3A_188] : memref<512xi32, #tpu.memory_space<vmem>> -> memref<32xi32, #tpu.memory_space<vmem>>
      %dma_start3A_190 = arith.constant 0 : i32
      %dma_start3A_191 = arith.constant 0 : i32
      %dma_start3A_192 = tpu.memref_slice %arg2[%dma_start3A_190, %dma_start3A_191] : memref<32128x1024xf32, #tpu.memory_space<hbm>> -> memref<32128x1024xf32, #tpu.memory_space<hbm>>
      tpu.enqueue_indirect_dma source(%dma_start3A_192 : memref<32128x1024xf32, #tpu.memory_space<hbm>>) target(%arg7 : memref<32x1024xf32, #tpu.memory_space<vmem>>) offsets(%dma_start3A_189 : memref<32xi32, #tpu.memory_space<vmem>>) semaphore(%arg10 : memref<!tpu.dma_semaphore, #tpu.memory_space<semaphore_mem>>)
      %mul3A_193 = arith.constant 32 : i32
      %mul3A_194 = arith.muli %add3A_171, %mul3A_193 : i32
      %multiple_of3A_195 = tpu.assume_multiple %mul3A_194, 32 : i32
      %dma_wait3A_196 = tpu.memref_slice %arg5[%multiple_of3A_195] : memref<512xi32, #tpu.memory_space<vmem>> -> memref<32xi32, #tpu.memory_space<vmem>>
      %dma_wait3A_197 = arith.constant 0 : i32
      %dma_wait3A_198 = arith.constant 0 : i32
      %dma_wait3A_199 = tpu.memref_slice %arg2[%dma_wait3A_197, %dma_wait3A_198] : memref<32128x1024xf32, #tpu.memory_space<hbm>> -> memref<32128x1024xf32, #tpu.memory_space<hbm>>
      tpu.wait_indirect_dma semaphore(%arg11 : memref<!tpu.dma_semaphore, #tpu.memory_space<semaphore_mem>>) src(%dma_wait3A_199 : memref<32128x1024xf32, #tpu.memory_space<hbm>>) dst(%arg8 : memref<32x1024xf32, #tpu.memory_space<vmem>>)
      %parallel_loop3A_200 = arith.constant 0 : i32
      %parallel_loop3A_201 = arith.constant 2048 : i32
      %parallel_loop3A_202 = arith.constant 1 : i32
      scf.for %parallel_loop3A_299 = %parallel_loop3A_200 to %parallel_loop3A_201 step %parallel_loop3A_202  : i32 {
        %parallel_loop3A_300 = arith.constant 64 : i32
        %parallel_loop3A_301 = arith.divsi %parallel_loop3A_299, %parallel_loop3A_300 : i32
        %parallel_loop3A_302 = arith.constant 0 : i32
        %parallel_loop3A_303 = arith.cmpi sgt, %parallel_loop3A_299, %parallel_loop3A_302 : i32
        %parallel_loop3A_304 = arith.extui %parallel_loop3A_303 : i1 to i32
        %parallel_loop3A_305 = arith.constant 0 : i32
        %parallel_loop3A_306 = arith.cmpi slt, %parallel_loop3A_299, %parallel_loop3A_305 : i32
        %parallel_loop3A_307 = arith.extui %parallel_loop3A_306 : i1 to i32
        %parallel_loop3A_308 = arith.subi %parallel_loop3A_304, %parallel_loop3A_307 : i32
        %parallel_loop3A_309 = arith.constant 0 : i32
        %parallel_loop3A_310 = arith.cmpi sgt, %parallel_loop3A_300, %parallel_loop3A_309 : i32
        %parallel_loop3A_311 = arith.extui %parallel_loop3A_310 : i1 to i32
        %parallel_loop3A_312 = arith.constant 0 : i32
        %parallel_loop3A_313 = arith.cmpi slt, %parallel_loop3A_300, %parallel_loop3A_312 : i32
        %parallel_loop3A_314 = arith.extui %parallel_loop3A_313 : i1 to i32
        %parallel_loop3A_315 = arith.subi %parallel_loop3A_311, %parallel_loop3A_314 : i32
        %parallel_loop3A_316 = arith.cmpi ne, %parallel_loop3A_308, %parallel_loop3A_315 : i32
        %parallel_loop3A_317 = arith.remsi %parallel_loop3A_299, %parallel_loop3A_300 : i32
        %parallel_loop3A_318 = arith.constant 0 : i32
        %parallel_loop3A_319 = arith.cmpi ne, %parallel_loop3A_317, %parallel_loop3A_318 : i32
        %parallel_loop3A_320 = arith.andi %parallel_loop3A_316, %parallel_loop3A_319 : i1
        %parallel_loop3A_321 = arith.constant 1 : i32
        %parallel_loop3A_322 = arith.subi %parallel_loop3A_301, %parallel_loop3A_321 : i32
        %parallel_loop3A_323 = arith.select %parallel_loop3A_320, %parallel_loop3A_322, %parallel_loop3A_301 : i32
        %parallel_loop3A_324 = arith.constant 64 : i32
        %parallel_loop3A_325 = arith.constant 0 : i32
        %parallel_loop3A_326 = arith.cmpi eq, %parallel_loop3A_324, %parallel_loop3A_325 : i32
        %parallel_loop3A_327 = arith.constant 1 : i32
        %parallel_loop3A_328 = arith.select %parallel_loop3A_326, %parallel_loop3A_327, %parallel_loop3A_324 : i32
        %parallel_loop3A_329 = arith.remsi %parallel_loop3A_299, %parallel_loop3A_328 : i32
        %parallel_loop3A_330 = arith.constant 0 : i32
        %parallel_loop3A_331 = arith.cmpi ne, %parallel_loop3A_329, %parallel_loop3A_330 : i32
        %parallel_loop3A_332 = arith.constant 0 : i32
        %parallel_loop3A_333 = arith.cmpi slt, %parallel_loop3A_329, %parallel_loop3A_332 : i32
        %parallel_loop3A_334 = arith.constant 0 : i32
        %parallel_loop3A_335 = arith.cmpi slt, %parallel_loop3A_328, %parallel_loop3A_334 : i32
        %parallel_loop3A_336 = arith.xori %parallel_loop3A_333, %parallel_loop3A_335 : i1
        %parallel_loop3A_337 = arith.andi %parallel_loop3A_336, %parallel_loop3A_331 : i1
        %parallel_loop3A_338 = arith.addi %parallel_loop3A_329, %parallel_loop3A_328 : i32
        %parallel_loop3A_339 = arith.select %parallel_loop3A_337, %parallel_loop3A_338, %parallel_loop3A_329 : i32
        %parallel_loop3A_340 = arith.constant 16 : i32
        %parallel_loop3A_341 = arith.muli %parallel_loop3A_339, %parallel_loop3A_340 : i32
        %parallel_loop3A_342 = arith.index_cast %parallel_loop3A_323 : i32 to index
        %parallel_loop3A_343 = arith.index_cast %parallel_loop3A_341 : i32 to index
        %parallel_loop3A_344 = tpu.vector_load %arg8[%parallel_loop3A_342, %parallel_loop3A_343] {strides = array<i32>} : memref<32x1024xf32, #tpu.memory_space<vmem>>, vector<1x16xf32>,
        %parallel_loop3A_345 = vector.shape_cast %parallel_loop3A_344 : vector<1x16xf32> to vector<16xf32>
        %parallel_loop3A_346 = arith.constant 3.200000e+01 : f32
        %parallel_loop3A_347 = vector.broadcast %parallel_loop3A_346 : f32 to vector<16xf32>
        %parallel_loop3A_348 = arith.mulf %parallel_loop3A_345, %parallel_loop3A_347 : vector<16xf32>
        %parallel_loop3A_349 = arith.index_cast %parallel_loop3A_323 : i32 to index
        %parallel_loop3A_350 = arith.index_cast %parallel_loop3A_341 : i32 to index
        %parallel_loop3A_351 = tpu.vector_load %arg8[%parallel_loop3A_349, %parallel_loop3A_350] {strides = array<i32>} : memref<32x1024xf32, #tpu.memory_space<vmem>>, vector<1x16xf32>,
        %parallel_loop3A_352 = vector.shape_cast %parallel_loop3A_351 : vector<1x16xf32> to vector<16xf32>
        %parallel_loop3A_353 = vector.shape_cast %parallel_loop3A_348 : vector<16xf32> to vector<1x16xf32>
        tpu.vector_store %arg8[%parallel_loop3A_349, %parallel_loop3A_350], %parallel_loop3A_353 {strides = array<i32>} : memref<32x1024xf32, #tpu.memory_space<vmem>>, vector<1x16xf32>,
      } {sc.loop_unroll_factor = 8 : i64, sc.parallel_access}
      %mul3A_203 = arith.constant 512 : i32
      %mul3A_204 = arith.muli %add3A, %mul3A_203 : i32
      %mul3A_205 = arith.constant 32 : i32
      %mul3A_206 = arith.muli %add3A_171, %mul3A_205 : i32
      %add3A_207 = arith.addi %mul3A_204, %mul3A_206 : i32
      %multiple_of3A_208 = tpu.assume_multiple %add3A_207, 32 : i32
      %dma_start3A_209 = arith.constant 0 : i32
      %dma_start3A_210 = tpu.memref_slice %arg4[%multiple_of3A_208, %dma_start3A_209] : memref<16384x1024xf32, #tpu.memory_space<hbm>> -> memref<32x1024xf32, #tpu.memory_space<hbm>>
      %dma_start3A_211 = arith.constant 0 : i32
      %dma_start3A_212 = tpu.memref_slice %arg4[%multiple_of3A_208, %dma_start3A_211] : memref<16384x1024xf32, #tpu.memory_space<hbm>> -> memref<32x1024xf32, #tpu.memory_space<hbm>>
      tpu.enqueue_dma source(%arg8 : memref<32x1024xf32, #tpu.memory_space<vmem>>) target(%dma_start3A_212 : memref<32x1024xf32, #tpu.memory_space<hbm>>) target_semaphore(%arg14 : memref<!tpu.dma_semaphore, #tpu.memory_space<semaphore_mem>>)
      %add3A_213 = arith.constant 1 : i32
      %add3A_214 = arith.addi %add3A_171, %add3A_213 : i32
      %sub3A_215 = arith.constant 1 : i32
      %sub3A_216 = arith.subi %add3A_214, %sub3A_215 : i32
      %mul3A_217 = arith.constant 512 : i32
      %mul3A_218 = arith.muli %add3A, %mul3A_217 : i32
      %mul3A_219 = arith.constant 32 : i32
      %mul3A_220 = arith.muli %sub3A_216, %mul3A_219 : i32
      %add3A_221 = arith.addi %mul3A_218, %mul3A_220 : i32
      %multiple_of3A_222 = tpu.assume_multiple %add3A_221, 32 : i32
      %dma_wait3A_223 = arith.constant 0 : i32
      %dma_wait3A_224 = tpu.memref_slice %arg4[%multiple_of3A_222, %dma_wait3A_223] : memref<16384x1024xf32, #tpu.memory_space<hbm>> -> memref<32x1024xf32, #tpu.memory_space<hbm>>
      %dma_wait3A_225 = arith.constant 0 : i32
      %dma_wait3A_226 = tpu.memref_slice %arg4[%multiple_of3A_222, %dma_wait3A_225] : memref<16384x1024xf32, #tpu.memory_space<hbm>> -> memref<32x1024xf32, #tpu.memory_space<hbm>>
      tpu.wait_dma2 semaphore(%arg14 : memref<!tpu.dma_semaphore, #tpu.memory_space<semaphore_mem>>) src(%arg8 : memref<32x1024xf32, #tpu.memory_space<vmem>>) dst(%dma_wait3A_226 : memref<32x1024xf32, #tpu.memory_space<hbm>>)
      %add3A_227 = arith.constant 2 : i32
      %add3A_228 = arith.addi %add3A_214, %add3A_227 : i32
      %mul3A_229 = arith.constant 32 : i32
      %mul3A_230 = arith.muli %add3A_228, %mul3A_229 : i32
      %multiple_of3A_231 = tpu.assume_multiple %mul3A_230, 32 : i32
      %dma_start3A_232 = tpu.memref_slice %arg5[%multiple_of3A_231] : memref<512xi32, #tpu.memory_space<vmem>> -> memref<32xi32, #tpu.memory_space<vmem>>
      %dma_start3A_233 = arith.constant 0 : i32
      %dma_start3A_234 = arith.constant 0 : i32
      %dma_start3A_235 = tpu.memref_slice %arg2[%dma_start3A_233, %dma_start3A_234] : memref<32128x1024xf32, #tpu.memory_space<hbm>> -> memref<32128x1024xf32, #tpu.memory_space<hbm>>
      tpu.enqueue_indirect_dma source(%dma_start3A_235 : memref<32128x1024xf32, #tpu.memory_space<hbm>>) target(%arg8 : memref<32x1024xf32, #tpu.memory_space<vmem>>) offsets(%dma_start3A_232 : memref<32xi32, #tpu.memory_space<vmem>>) semaphore(%arg11 : memref<!tpu.dma_semaphore, #tpu.memory_space<semaphore_mem>>)
      %mul3A_236 = arith.constant 32 : i32
      %mul3A_237 = arith.muli %add3A_214, %mul3A_236 : i32
      %multiple_of3A_238 = tpu.assume_multiple %mul3A_237, 32 : i32
      %dma_wait3A_239 = tpu.memref_slice %arg5[%multiple_of3A_238] : memref<512xi32, #tpu.memory_space<vmem>> -> memref<32xi32, #tpu.memory_space<vmem>>
      %dma_wait3A_240 = arith.constant 0 : i32
      %dma_wait3A_241 = arith.constant 0 : i32
      %dma_wait3A_242 = tpu.memref_slice %arg2[%dma_wait3A_240, %dma_wait3A_241] : memref<32128x1024xf32, #tpu.memory_space<hbm>> -> memref<32128x1024xf32, #tpu.memory_space<hbm>>
      tpu.wait_indirect_dma semaphore(%arg9 : memref<!tpu.dma_semaphore, #tpu.memory_space<semaphore_mem>>) src(%dma_wait3A_242 : memref<32128x1024xf32, #tpu.memory_space<hbm>>) dst(%arg6 : memref<32x1024xf32, #tpu.memory_space<vmem>>)
      %parallel_loop3A_243 = arith.constant 0 : i32
      %parallel_loop3A_244 = arith.constant 2048 : i32
      %parallel_loop3A_245 = arith.constant 1 : i32
      scf.for %parallel_loop3A_299 = %parallel_loop3A_243 to %parallel_loop3A_244 step %parallel_loop3A_245  : i32 {
        %parallel_loop3A_300 = arith.constant 64 : i32
        %parallel_loop3A_301 = arith.divsi %parallel_loop3A_299, %parallel_loop3A_300 : i32
        %parallel_loop3A_302 = arith.constant 0 : i32
        %parallel_loop3A_303 = arith.cmpi sgt, %parallel_loop3A_299, %parallel_loop3A_302 : i32
        %parallel_loop3A_304 = arith.extui %parallel_loop3A_303 : i1 to i32
        %parallel_loop3A_305 = arith.constant 0 : i32
        %parallel_loop3A_306 = arith.cmpi slt, %parallel_loop3A_299, %parallel_loop3A_305 : i32
        %parallel_loop3A_307 = arith.extui %parallel_loop3A_306 : i1 to i32
        %parallel_loop3A_308 = arith.subi %parallel_loop3A_304, %parallel_loop3A_307 : i32
        %parallel_loop3A_309 = arith.constant 0 : i32
        %parallel_loop3A_310 = arith.cmpi sgt, %parallel_loop3A_300, %parallel_loop3A_309 : i32
        %parallel_loop3A_311 = arith.extui %parallel_loop3A_310 : i1 to i32
        %parallel_loop3A_312 = arith.constant 0 : i32
        %parallel_loop3A_313 = arith.cmpi slt, %parallel_loop3A_300, %parallel_loop3A_312 : i32
        %parallel_loop3A_314 = arith.extui %parallel_loop3A_313 : i1 to i32
        %parallel_loop3A_315 = arith.subi %parallel_loop3A_311, %parallel_loop3A_314 : i32
        %parallel_loop3A_316 = arith.cmpi ne, %parallel_loop3A_308, %parallel_loop3A_315 : i32
        %parallel_loop3A_317 = arith.remsi %parallel_loop3A_299, %parallel_loop3A_300 : i32
        %parallel_loop3A_318 = arith.constant 0 : i32
        %parallel_loop3A_319 = arith.cmpi ne, %parallel_loop3A_317, %parallel_loop3A_318 : i32
        %parallel_loop3A_320 = arith.andi %parallel_loop3A_316, %parallel_loop3A_319 : i1
        %parallel_loop3A_321 = arith.constant 1 : i32
        %parallel_loop3A_322 = arith.subi %parallel_loop3A_301, %parallel_loop3A_321 : i32
        %parallel_loop3A_323 = arith.select %parallel_loop3A_320, %parallel_loop3A_322, %parallel_loop3A_301 : i32
        %parallel_loop3A_324 = arith.constant 64 : i32
        %parallel_loop3A_325 = arith.constant 0 : i32
        %parallel_loop3A_326 = arith.cmpi eq, %parallel_loop3A_324, %parallel_loop3A_325 : i32
        %parallel_loop3A_327 = arith.constant 1 : i32
        %parallel_loop3A_328 = arith.select %parallel_loop3A_326, %parallel_loop3A_327, %parallel_loop3A_324 : i32
        %parallel_loop3A_329 = arith.remsi %parallel_loop3A_299, %parallel_loop3A_328 : i32
        %parallel_loop3A_330 = arith.constant 0 : i32
        %parallel_loop3A_331 = arith.cmpi ne, %parallel_loop3A_329, %parallel_loop3A_330 : i32
        %parallel_loop3A_332 = arith.constant 0 : i32
        %parallel_loop3A_333 = arith.cmpi slt, %parallel_loop3A_329, %parallel_loop3A_332 : i32
        %parallel_loop3A_334 = arith.constant 0 : i32
        %parallel_loop3A_335 = arith.cmpi slt, %parallel_loop3A_328, %parallel_loop3A_334 : i32
        %parallel_loop3A_336 = arith.xori %parallel_loop3A_333, %parallel_loop3A_335 : i1
        %parallel_loop3A_337 = arith.andi %parallel_loop3A_336, %parallel_loop3A_331 : i1
        %parallel_loop3A_338 = arith.addi %parallel_loop3A_329, %parallel_loop3A_328 : i32
        %parallel_loop3A_339 = arith.select %parallel_loop3A_337, %parallel_loop3A_338, %parallel_loop3A_329 : i32
        %parallel_loop3A_340 = arith.constant 16 : i32
        %parallel_loop3A_341 = arith.muli %parallel_loop3A_339, %parallel_loop3A_340 : i32
        %parallel_loop3A_342 = arith.index_cast %parallel_loop3A_323 : i32 to index
        %parallel_loop3A_343 = arith.index_cast %parallel_loop3A_341 : i32 to index
        %parallel_loop3A_344 = tpu.vector_load %arg6[%parallel_loop3A_342, %parallel_loop3A_343] {strides = array<i32>} : memref<32x1024xf32, #tpu.memory_space<vmem>>, vector<1x16xf32>,
        %parallel_loop3A_345 = vector.shape_cast %parallel_loop3A_344 : vector<1x16xf32> to vector<16xf32>
        %parallel_loop3A_346 = arith.constant 3.200000e+01 : f32
        %parallel_loop3A_347 = vector.broadcast %parallel_loop3A_346 : f32 to vector<16xf32>
        %parallel_loop3A_348 = arith.mulf %parallel_loop3A_345, %parallel_loop3A_347 : vector<16xf32>
        %parallel_loop3A_349 = arith.index_cast %parallel_loop3A_323 : i32 to index
        %parallel_loop3A_350 = arith.index_cast %parallel_loop3A_341 : i32 to index
        %parallel_loop3A_351 = tpu.vector_load %arg6[%parallel_loop3A_349, %parallel_loop3A_350] {strides = array<i32>} : memref<32x1024xf32, #tpu.memory_space<vmem>>, vector<1x16xf32>,
        %parallel_loop3A_352 = vector.shape_cast %parallel_loop3A_351 : vector<1x16xf32> to vector<16xf32>
        %parallel_loop3A_353 = vector.shape_cast %parallel_loop3A_348 : vector<16xf32> to vector<1x16xf32>
        tpu.vector_store %arg6[%parallel_loop3A_349, %parallel_loop3A_350], %parallel_loop3A_353 {strides = array<i32>} : memref<32x1024xf32, #tpu.memory_space<vmem>>, vector<1x16xf32>,
      } {sc.loop_unroll_factor = 8 : i64, sc.parallel_access}
      %mul3A_246 = arith.constant 512 : i32
      %mul3A_247 = arith.muli %add3A, %mul3A_246 : i32
      %mul3A_248 = arith.constant 32 : i32
      %mul3A_249 = arith.muli %add3A_214, %mul3A_248 : i32
      %add3A_250 = arith.addi %mul3A_247, %mul3A_249 : i32
      %multiple_of3A_251 = tpu.assume_multiple %add3A_250, 32 : i32
      %dma_start3A_252 = arith.constant 0 : i32
      %dma_start3A_253 = tpu.memref_slice %arg4[%multiple_of3A_251, %dma_start3A_252] : memref<16384x1024xf32, #tpu.memory_space<hbm>> -> memref<32x1024xf32, #tpu.memory_space<hbm>>
      %dma_start3A_254 = arith.constant 0 : i32
      %dma_start3A_255 = tpu.memref_slice %arg4[%multiple_of3A_251, %dma_start3A_254] : memref<16384x1024xf32, #tpu.memory_space<hbm>> -> memref<32x1024xf32, #tpu.memory_space<hbm>>
      tpu.enqueue_dma source(%arg6 : memref<32x1024xf32, #tpu.memory_space<vmem>>) target(%dma_start3A_255 : memref<32x1024xf32, #tpu.memory_space<hbm>>) target_semaphore(%arg12 : memref<!tpu.dma_semaphore, #tpu.memory_space<semaphore_mem>>)
      %add3A_256 = arith.constant 2 : i32
      %add3A_257 = arith.addi %add3A_171, %add3A_256 : i32
      %sub3A_258 = arith.constant 1 : i32
      %sub3A_259 = arith.subi %add3A_257, %sub3A_258 : i32
      %mul3A_260 = arith.constant 512 : i32
      %mul3A_261 = arith.muli %add3A, %mul3A_260 : i32
      %mul3A_262 = arith.constant 32 : i32
      %mul3A_263 = arith.muli %sub3A_259, %mul3A_262 : i32
      %add3A_264 = arith.addi %mul3A_261, %mul3A_263 : i32
      %multiple_of3A_265 = tpu.assume_multiple %add3A_264, 32 : i32
      %dma_wait3A_266 = arith.constant 0 : i32
      %dma_wait3A_267 = tpu.memref_slice %arg4[%multiple_of3A_265, %dma_wait3A_266] : memref<16384x1024xf32, #tpu.memory_space<hbm>> -> memref<32x1024xf32, #tpu.memory_space<hbm>>
      %dma_wait3A_268 = arith.constant 0 : i32
      %dma_wait3A_269 = tpu.memref_slice %arg4[%multiple_of3A_265, %dma_wait3A_268] : memref<16384x1024xf32, #tpu.memory_space<hbm>> -> memref<32x1024xf32, #tpu.memory_space<hbm>>
      tpu.wait_dma2 semaphore(%arg12 : memref<!tpu.dma_semaphore, #tpu.memory_space<semaphore_mem>>) src(%arg6 : memref<32x1024xf32, #tpu.memory_space<vmem>>) dst(%dma_wait3A_269 : memref<32x1024xf32, #tpu.memory_space<hbm>>)
      %add3A_270 = arith.constant 2 : i32
      %add3A_271 = arith.addi %add3A_257, %add3A_270 : i32
      %mul3A_272 = arith.constant 32 : i32
      %mul3A_273 = arith.muli %add3A_271, %mul3A_272 : i32
      %multiple_of3A_274 = tpu.assume_multiple %mul3A_273, 32 : i32
      %dma_start3A_275 = tpu.memref_slice %arg5[%multiple_of3A_274] : memref<512xi32, #tpu.memory_space<vmem>> -> memref<32xi32, #tpu.memory_space<vmem>>
      %dma_start3A_276 = arith.constant 0 : i32
      %dma_start3A_277 = arith.constant 0 : i32
      %dma_start3A_278 = tpu.memref_slice %arg2[%dma_start3A_276, %dma_start3A_277] : memref<32128x1024xf32, #tpu.memory_space<hbm>> -> memref<32128x1024xf32, #tpu.memory_space<hbm>>
      tpu.enqueue_indirect_dma source(%dma_start3A_278 : memref<32128x1024xf32, #tpu.memory_space<hbm>>) target(%arg6 : memref<32x1024xf32, #tpu.memory_space<vmem>>) offsets(%dma_start3A_275 : memref<32xi32, #tpu.memory_space<vmem>>) semaphore(%arg9 : memref<!tpu.dma_semaphore, #tpu.memory_space<semaphore_mem>>)
      %mul3A_279 = arith.constant 32 : i32
      %mul3A_280 = arith.muli %add3A_257, %mul3A_279 : i32
      %multiple_of3A_281 = tpu.assume_multiple %mul3A_280, 32 : i32
      %dma_wait3A_282 = tpu.memref_slice %arg5[%multiple_of3A_281] : memref<512xi32, #tpu.memory_space<vmem>> -> memref<32xi32, #tpu.memory_space<vmem>>
      %dma_wait3A_283 = arith.constant 0 : i32
      %dma_wait3A_284 = arith.constant 0 : i32
      %dma_wait3A_285 = tpu.memref_slice %arg2[%dma_wait3A_283, %dma_wait3A_284] : memref<32128x1024xf32, #tpu.memory_space<hbm>> -> memref<32128x1024xf32, #tpu.memory_space<hbm>>
      tpu.wait_indirect_dma semaphore(%arg10 : memref<!tpu.dma_semaphore, #tpu.memory_space<semaphore_mem>>) src(%dma_wait3A_285 : memref<32128x1024xf32, #tpu.memory_space<hbm>>) dst(%arg7 : memref<32x1024xf32, #tpu.memory_space<vmem>>)
      %parallel_loop3A_286 = arith.constant 0 : i32
      %parallel_loop3A_287 = arith.constant 2048 : i32
      %parallel_loop3A_288 = arith.constant 1 : i32
      scf.for %parallel_loop3A_299 = %parallel_loop3A_286 to %parallel_loop3A_287 step %parallel_loop3A_288  : i32 {
        %parallel_loop3A_300 = arith.constant 64 : i32
        %parallel_loop3A_301 = arith.divsi %parallel_loop3A_299, %parallel_loop3A_300 : i32
        %parallel_loop3A_302 = arith.constant 0 : i32
        %parallel_loop3A_303 = arith.cmpi sgt, %parallel_loop3A_299, %parallel_loop3A_302 : i32
        %parallel_loop3A_304 = arith.extui %parallel_loop3A_303 : i1 to i32
        %parallel_loop3A_305 = arith.constant 0 : i32
        %parallel_loop3A_306 = arith.cmpi slt, %parallel_loop3A_299, %parallel_loop3A_305 : i32
        %parallel_loop3A_307 = arith.extui %parallel_loop3A_306 : i1 to i32
        %parallel_loop3A_308 = arith.subi %parallel_loop3A_304, %parallel_loop3A_307 : i32
        %parallel_loop3A_309 = arith.constant 0 : i32
        %parallel_loop3A_310 = arith.cmpi sgt, %parallel_loop3A_300, %parallel_loop3A_309 : i32
        %parallel_loop3A_311 = arith.extui %parallel_loop3A_310 : i1 to i32
        %parallel_loop3A_312 = arith.constant 0 : i32
        %parallel_loop3A_313 = arith.cmpi slt, %parallel_loop3A_300, %parallel_loop3A_312 : i32
        %parallel_loop3A_314 = arith.extui %parallel_loop3A_313 : i1 to i32
        %parallel_loop3A_315 = arith.subi %parallel_loop3A_311, %parallel_loop3A_314 : i32
        %parallel_loop3A_316 = arith.cmpi ne, %parallel_loop3A_308, %parallel_loop3A_315 : i32
        %parallel_loop3A_317 = arith.remsi %parallel_loop3A_299, %parallel_loop3A_300 : i32
        %parallel_loop3A_318 = arith.constant 0 : i32
        %parallel_loop3A_319 = arith.cmpi ne, %parallel_loop3A_317, %parallel_loop3A_318 : i32
        %parallel_loop3A_320 = arith.andi %parallel_loop3A_316, %parallel_loop3A_319 : i1
        %parallel_loop3A_321 = arith.constant 1 : i32
        %parallel_loop3A_322 = arith.subi %parallel_loop3A_301, %parallel_loop3A_321 : i32
        %parallel_loop3A_323 = arith.select %parallel_loop3A_320, %parallel_loop3A_322, %parallel_loop3A_301 : i32
        %parallel_loop3A_324 = arith.constant 64 : i32
        %parallel_loop3A_325 = arith.constant 0 : i32
        %parallel_loop3A_326 = arith.cmpi eq, %parallel_loop3A_324, %parallel_loop3A_325 : i32
        %parallel_loop3A_327 = arith.constant 1 : i32
        %parallel_loop3A_328 = arith.select %parallel_loop3A_326, %parallel_loop3A_327, %parallel_loop3A_324 : i32
        %parallel_loop3A_329 = arith.remsi %parallel_loop3A_299, %parallel_loop3A_328 : i32
        %parallel_loop3A_330 = arith.constant 0 : i32
        %parallel_loop3A_331 = arith.cmpi ne, %parallel_loop3A_329, %parallel_loop3A_330 : i32
        %parallel_loop3A_332 = arith.constant 0 : i32
        %parallel_loop3A_333 = arith.cmpi slt, %parallel_loop3A_329, %parallel_loop3A_332 : i32
        %parallel_loop3A_334 = arith.constant 0 : i32
        %parallel_loop3A_335 = arith.cmpi slt, %parallel_loop3A_328, %parallel_loop3A_334 : i32
        %parallel_loop3A_336 = arith.xori %parallel_loop3A_333, %parallel_loop3A_335 : i1
        %parallel_loop3A_337 = arith.andi %parallel_loop3A_336, %parallel_loop3A_331 : i1
        %parallel_loop3A_338 = arith.addi %parallel_loop3A_329, %parallel_loop3A_328 : i32
        %parallel_loop3A_339 = arith.select %parallel_loop3A_337, %parallel_loop3A_338, %parallel_loop3A_329 : i32
        %parallel_loop3A_340 = arith.constant 16 : i32
        %parallel_loop3A_341 = arith.muli %parallel_loop3A_339, %parallel_loop3A_340 : i32
        %parallel_loop3A_342 = arith.index_cast %parallel_loop3A_323 : i32 to index
        %parallel_loop3A_343 = arith.index_cast %parallel_loop3A_341 : i32 to index
        %parallel_loop3A_344 = tpu.vector_load %arg7[%parallel_loop3A_342, %parallel_loop3A_343] {strides = array<i32>} : memref<32x1024xf32, #tpu.memory_space<vmem>>, vector<1x16xf32>,
        %parallel_loop3A_345 = vector.shape_cast %parallel_loop3A_344 : vector<1x16xf32> to vector<16xf32>
        %parallel_loop3A_346 = arith.constant 3.200000e+01 : f32
        %parallel_loop3A_347 = vector.broadcast %parallel_loop3A_346 : f32 to vector<16xf32>
        %parallel_loop3A_348 = arith.mulf %parallel_loop3A_345, %parallel_loop3A_347 : vector<16xf32>
        %parallel_loop3A_349 = arith.index_cast %parallel_loop3A_323 : i32 to index
        %parallel_loop3A_350 = arith.index_cast %parallel_loop3A_341 : i32 to index
        %parallel_loop3A_351 = tpu.vector_load %arg7[%parallel_loop3A_349, %parallel_loop3A_350] {strides = array<i32>} : memref<32x1024xf32, #tpu.memory_space<vmem>>, vector<1x16xf32>,
        %parallel_loop3A_352 = vector.shape_cast %parallel_loop3A_351 : vector<1x16xf32> to vector<16xf32>
        %parallel_loop3A_353 = vector.shape_cast %parallel_loop3A_348 : vector<16xf32> to vector<1x16xf32>
        tpu.vector_store %arg7[%parallel_loop3A_349, %parallel_loop3A_350], %parallel_loop3A_353 {strides = array<i32>} : memref<32x1024xf32, #tpu.memory_space<vmem>>, vector<1x16xf32>,
      } {sc.loop_unroll_factor = 8 : i64, sc.parallel_access}
      %mul3A_289 = arith.constant 512 : i32
      %mul3A_290 = arith.muli %add3A, %mul3A_289 : i32
      %mul3A_291 = arith.constant 32 : i32
      %mul3A_292 = arith.muli %add3A_257, %mul3A_291 : i32
      %add3A_293 = arith.addi %mul3A_290, %mul3A_292 : i32
      %multiple_of3A_294 = tpu.assume_multiple %add3A_293, 32 : i32
      %dma_start3A_295 = arith.constant 0 : i32
      %dma_start3A_296 = tpu.memref_slice %arg4[%multiple_of3A_294, %dma_start3A_295] : memref<16384x1024xf32, #tpu.memory_space<hbm>> -> memref<32x1024xf32, #tpu.memory_space<hbm>>
      %dma_start3A_297 = arith.constant 0 : i32
      %dma_start3A_298 = tpu.memref_slice %arg4[%multiple_of3A_294, %dma_start3A_297] : memref<16384x1024xf32, #tpu.memory_space<hbm>> -> memref<32x1024xf32, #tpu.memory_space<hbm>>
      tpu.enqueue_dma source(%arg7 : memref<32x1024xf32, #tpu.memory_space<vmem>>) target(%dma_start3A_298 : memref<32x1024xf32, #tpu.memory_space<hbm>>) target_semaphore(%arg13 : memref<!tpu.dma_semaphore, #tpu.memory_space<semaphore_mem>>)
    }
    %scan3A_103 = arith.constant 4 : i32
    %multiple_of3A_104 = arith.constant 448 : i32
    %multiple_of3A_105 = tpu.assume_multiple %multiple_of3A_104, 32 : i32
    %dma_wait3A_106 = tpu.memref_slice %arg5[%multiple_of3A_105] : memref<512xi32, #tpu.memory_space<vmem>> -> memref<32xi32, #tpu.memory_space<vmem>>
    %dma_wait3A_107 = arith.constant 0 : i32
    %dma_wait3A_108 = arith.constant 0 : i32
    %dma_wait3A_109 = tpu.memref_slice %arg2[%dma_wait3A_107, %dma_wait3A_108] : memref<32128x1024xf32, #tpu.memory_space<hbm>> -> memref<32128x1024xf32, #tpu.memory_space<hbm>>
    tpu.wait_indirect_dma semaphore(%arg11 : memref<!tpu.dma_semaphore, #tpu.memory_space<semaphore_mem>>) src(%dma_wait3A_109 : memref<32128x1024xf32, #tpu.memory_space<hbm>>) dst(%arg8 : memref<32x1024xf32, #tpu.memory_space<vmem>>)
    %parallel_loop3A_110 = arith.constant 0 : i32
    %parallel_loop3A_111 = arith.constant 2048 : i32
    %parallel_loop3A_112 = arith.constant 1 : i32
    scf.for %parallel_loop3A_167 = %parallel_loop3A_110 to %parallel_loop3A_111 step %parallel_loop3A_112  : i32 {
      %parallel_loop3A_168 = arith.constant 64 : i32
      %parallel_loop3A_169 = arith.divsi %parallel_loop3A_167, %parallel_loop3A_168 : i32
      %parallel_loop3A_170 = arith.constant 0 : i32
      %parallel_loop3A_171 = arith.cmpi sgt, %parallel_loop3A_167, %parallel_loop3A_170 : i32
      %parallel_loop3A_172 = arith.extui %parallel_loop3A_171 : i1 to i32
      %parallel_loop3A_173 = arith.constant 0 : i32
      %parallel_loop3A_174 = arith.cmpi slt, %parallel_loop3A_167, %parallel_loop3A_173 : i32
      %parallel_loop3A_175 = arith.extui %parallel_loop3A_174 : i1 to i32
      %parallel_loop3A_176 = arith.subi %parallel_loop3A_172, %parallel_loop3A_175 : i32
      %parallel_loop3A_177 = arith.constant 0 : i32
      %parallel_loop3A_178 = arith.cmpi sgt, %parallel_loop3A_168, %parallel_loop3A_177 : i32
      %parallel_loop3A_179 = arith.extui %parallel_loop3A_178 : i1 to i32
      %parallel_loop3A_180 = arith.constant 0 : i32
      %parallel_loop3A_181 = arith.cmpi slt, %parallel_loop3A_168, %parallel_loop3A_180 : i32
      %parallel_loop3A_182 = arith.extui %parallel_loop3A_181 : i1 to i32
      %parallel_loop3A_183 = arith.subi %parallel_loop3A_179, %parallel_loop3A_182 : i32
      %parallel_loop3A_184 = arith.cmpi ne, %parallel_loop3A_176, %parallel_loop3A_183 : i32
      %parallel_loop3A_185 = arith.remsi %parallel_loop3A_167, %parallel_loop3A_168 : i32
      %parallel_loop3A_186 = arith.constant 0 : i32
      %parallel_loop3A_187 = arith.cmpi ne, %parallel_loop3A_185, %parallel_loop3A_186 : i32
      %parallel_loop3A_188 = arith.andi %parallel_loop3A_184, %parallel_loop3A_187 : i1
      %parallel_loop3A_189 = arith.constant 1 : i32
      %parallel_loop3A_190 = arith.subi %parallel_loop3A_169, %parallel_loop3A_189 : i32
      %parallel_loop3A_191 = arith.select %parallel_loop3A_188, %parallel_loop3A_190, %parallel_loop3A_169 : i32
      %parallel_loop3A_192 = arith.constant 64 : i32
      %parallel_loop3A_193 = arith.constant 0 : i32
      %parallel_loop3A_194 = arith.cmpi eq, %parallel_loop3A_192, %parallel_loop3A_193 : i32
      %parallel_loop3A_195 = arith.constant 1 : i32
      %parallel_loop3A_196 = arith.select %parallel_loop3A_194, %parallel_loop3A_195, %parallel_loop3A_192 : i32
      %parallel_loop3A_197 = arith.remsi %parallel_loop3A_167, %parallel_loop3A_196 : i32
      %parallel_loop3A_198 = arith.constant 0 : i32
      %parallel_loop3A_199 = arith.cmpi ne, %parallel_loop3A_197, %parallel_loop3A_198 : i32
      %parallel_loop3A_200 = arith.constant 0 : i32
      %parallel_loop3A_201 = arith.cmpi slt, %parallel_loop3A_197, %parallel_loop3A_200 : i32
      %parallel_loop3A_202 = arith.constant 0 : i32
      %parallel_loop3A_203 = arith.cmpi slt, %parallel_loop3A_196, %parallel_loop3A_202 : i32
      %parallel_loop3A_204 = arith.xori %parallel_loop3A_201, %parallel_loop3A_203 : i1
      %parallel_loop3A_205 = arith.andi %parallel_loop3A_204, %parallel_loop3A_199 : i1
      %parallel_loop3A_206 = arith.addi %parallel_loop3A_197, %parallel_loop3A_196 : i32
      %parallel_loop3A_207 = arith.select %parallel_loop3A_205, %parallel_loop3A_206, %parallel_loop3A_197 : i32
      %parallel_loop3A_208 = arith.constant 16 : i32
      %parallel_loop3A_209 = arith.muli %parallel_loop3A_207, %parallel_loop3A_208 : i32
      %parallel_loop3A_210 = arith.index_cast %parallel_loop3A_191 : i32 to index
      %parallel_loop3A_211 = arith.index_cast %parallel_loop3A_209 : i32 to index
      %parallel_loop3A_212 = tpu.vector_load %arg8[%parallel_loop3A_210, %parallel_loop3A_211] {strides = array<i32>} : memref<32x1024xf32, #tpu.memory_space<vmem>>, vector<1x16xf32>,
      %parallel_loop3A_213 = vector.shape_cast %parallel_loop3A_212 : vector<1x16xf32> to vector<16xf32>
      %parallel_loop3A_214 = arith.constant 3.200000e+01 : f32
      %parallel_loop3A_215 = vector.broadcast %parallel_loop3A_214 : f32 to vector<16xf32>
      %parallel_loop3A_216 = arith.mulf %parallel_loop3A_213, %parallel_loop3A_215 : vector<16xf32>
      %parallel_loop3A_217 = arith.index_cast %parallel_loop3A_191 : i32 to index
      %parallel_loop3A_218 = arith.index_cast %parallel_loop3A_209 : i32 to index
      %parallel_loop3A_219 = tpu.vector_load %arg8[%parallel_loop3A_217, %parallel_loop3A_218] {strides = array<i32>} : memref<32x1024xf32, #tpu.memory_space<vmem>>, vector<1x16xf32>,
      %parallel_loop3A_220 = vector.shape_cast %parallel_loop3A_219 : vector<1x16xf32> to vector<16xf32>
      %parallel_loop3A_221 = vector.shape_cast %parallel_loop3A_216 : vector<16xf32> to vector<1x16xf32>
      tpu.vector_store %arg8[%parallel_loop3A_217, %parallel_loop3A_218], %parallel_loop3A_221 {strides = array<i32>} : memref<32x1024xf32, #tpu.memory_space<vmem>>, vector<1x16xf32>,
    } {sc.loop_unroll_factor = 8 : i64, sc.parallel_access}
    %mul3A_113 = arith.constant 512 : i32
    %mul3A_114 = arith.muli %add3A, %mul3A_113 : i32
    %add3A_115 = arith.constant 448 : i32
    %add3A_116 = arith.addi %mul3A_114, %add3A_115 : i32
    %multiple_of3A_117 = tpu.assume_multiple %add3A_116, 32 : i32
    %dma_start3A_118 = arith.constant 0 : i32
    %dma_start3A_119 = tpu.memref_slice %arg4[%multiple_of3A_117, %dma_start3A_118] : memref<16384x1024xf32, #tpu.memory_space<hbm>> -> memref<32x1024xf32, #tpu.memory_space<hbm>>
    %dma_start3A_120 = arith.constant 0 : i32
    %dma_start3A_121 = tpu.memref_slice %arg4[%multiple_of3A_117, %dma_start3A_120] : memref<16384x1024xf32, #tpu.memory_space<hbm>> -> memref<32x1024xf32, #tpu.memory_space<hbm>>
    tpu.enqueue_dma source(%arg8 : memref<32x1024xf32, #tpu.memory_space<vmem>>) target(%dma_start3A_121 : memref<32x1024xf32, #tpu.memory_space<hbm>>) target_semaphore(%arg14 : memref<!tpu.dma_semaphore, #tpu.memory_space<semaphore_mem>>)
    %multiple_of3A_122 = arith.constant 480 : i32
    %multiple_of3A_123 = tpu.assume_multiple %multiple_of3A_122, 32 : i32
    %dma_wait3A_124 = tpu.memref_slice %arg5[%multiple_of3A_123] : memref<512xi32, #tpu.memory_space<vmem>> -> memref<32xi32, #tpu.memory_space<vmem>>
    %dma_wait3A_125 = arith.constant 0 : i32
    %dma_wait3A_126 = arith.constant 0 : i32
    %dma_wait3A_127 = tpu.memref_slice %arg2[%dma_wait3A_125, %dma_wait3A_126] : memref<32128x1024xf32, #tpu.memory_space<hbm>> -> memref<32128x1024xf32, #tpu.memory_space<hbm>>
    tpu.wait_indirect_dma semaphore(%arg9 : memref<!tpu.dma_semaphore, #tpu.memory_space<semaphore_mem>>) src(%dma_wait3A_127 : memref<32128x1024xf32, #tpu.memory_space<hbm>>) dst(%arg6 : memref<32x1024xf32, #tpu.memory_space<vmem>>)
    %parallel_loop3A_128 = arith.constant 0 : i32
    %parallel_loop3A_129 = arith.constant 2048 : i32
    %parallel_loop3A_130 = arith.constant 1 : i32
    scf.for %parallel_loop3A_167 = %parallel_loop3A_128 to %parallel_loop3A_129 step %parallel_loop3A_130  : i32 {
      %parallel_loop3A_168 = arith.constant 64 : i32
      %parallel_loop3A_169 = arith.divsi %parallel_loop3A_167, %parallel_loop3A_168 : i32
      %parallel_loop3A_170 = arith.constant 0 : i32
      %parallel_loop3A_171 = arith.cmpi sgt, %parallel_loop3A_167, %parallel_loop3A_170 : i32
      %parallel_loop3A_172 = arith.extui %parallel_loop3A_171 : i1 to i32
      %parallel_loop3A_173 = arith.constant 0 : i32
      %parallel_loop3A_174 = arith.cmpi slt, %parallel_loop3A_167, %parallel_loop3A_173 : i32
      %parallel_loop3A_175 = arith.extui %parallel_loop3A_174 : i1 to i32
      %parallel_loop3A_176 = arith.subi %parallel_loop3A_172, %parallel_loop3A_175 : i32
      %parallel_loop3A_177 = arith.constant 0 : i32
      %parallel_loop3A_178 = arith.cmpi sgt, %parallel_loop3A_168, %parallel_loop3A_177 : i32
      %parallel_loop3A_179 = arith.extui %parallel_loop3A_178 : i1 to i32
      %parallel_loop3A_180 = arith.constant 0 : i32
      %parallel_loop3A_181 = arith.cmpi slt, %parallel_loop3A_168, %parallel_loop3A_180 : i32
      %parallel_loop3A_182 = arith.extui %parallel_loop3A_181 : i1 to i32
      %parallel_loop3A_183 = arith.subi %parallel_loop3A_179, %parallel_loop3A_182 : i32
      %parallel_loop3A_184 = arith.cmpi ne, %parallel_loop3A_176, %parallel_loop3A_183 : i32
      %parallel_loop3A_185 = arith.remsi %parallel_loop3A_167, %parallel_loop3A_168 : i32
      %parallel_loop3A_186 = arith.constant 0 : i32
      %parallel_loop3A_187 = arith.cmpi ne, %parallel_loop3A_185, %parallel_loop3A_186 : i32
      %parallel_loop3A_188 = arith.andi %parallel_loop3A_184, %parallel_loop3A_187 : i1
      %parallel_loop3A_189 = arith.constant 1 : i32
      %parallel_loop3A_190 = arith.subi %parallel_loop3A_169, %parallel_loop3A_189 : i32
      %parallel_loop3A_191 = arith.select %parallel_loop3A_188, %parallel_loop3A_190, %parallel_loop3A_169 : i32
      %parallel_loop3A_192 = arith.constant 64 : i32
      %parallel_loop3A_193 = arith.constant 0 : i32
      %parallel_loop3A_194 = arith.cmpi eq, %parallel_loop3A_192, %parallel_loop3A_193 : i32
      %parallel_loop3A_195 = arith.constant 1 : i32
      %parallel_loop3A_196 = arith.select %parallel_loop3A_194, %parallel_loop3A_195, %parallel_loop3A_192 : i32
      %parallel_loop3A_197 = arith.remsi %parallel_loop3A_167, %parallel_loop3A_196 : i32
      %parallel_loop3A_198 = arith.constant 0 : i32
      %parallel_loop3A_199 = arith.cmpi ne, %parallel_loop3A_197, %parallel_loop3A_198 : i32
      %parallel_loop3A_200 = arith.constant 0 : i32
      %parallel_loop3A_201 = arith.cmpi slt, %parallel_loop3A_197, %parallel_loop3A_200 : i32
      %parallel_loop3A_202 = arith.constant 0 : i32
      %parallel_loop3A_203 = arith.cmpi slt, %parallel_loop3A_196, %parallel_loop3A_202 : i32
      %parallel_loop3A_204 = arith.xori %parallel_loop3A_201, %parallel_loop3A_203 : i1
      %parallel_loop3A_205 = arith.andi %parallel_loop3A_204, %parallel_loop3A_199 : i1
      %parallel_loop3A_206 = arith.addi %parallel_loop3A_197, %parallel_loop3A_196 : i32
      %parallel_loop3A_207 = arith.select %parallel_loop3A_205, %parallel_loop3A_206, %parallel_loop3A_197 : i32
      %parallel_loop3A_208 = arith.constant 16 : i32
      %parallel_loop3A_209 = arith.muli %parallel_loop3A_207, %parallel_loop3A_208 : i32
      %parallel_loop3A_210 = arith.index_cast %parallel_loop3A_191 : i32 to index
      %parallel_loop3A_211 = arith.index_cast %parallel_loop3A_209 : i32 to index
      %parallel_loop3A_212 = tpu.vector_load %arg6[%parallel_loop3A_210, %parallel_loop3A_211] {strides = array<i32>} : memref<32x1024xf32, #tpu.memory_space<vmem>>, vector<1x16xf32>,
      %parallel_loop3A_213 = vector.shape_cast %parallel_loop3A_212 : vector<1x16xf32> to vector<16xf32>
      %parallel_loop3A_214 = arith.constant 3.200000e+01 : f32
      %parallel_loop3A_215 = vector.broadcast %parallel_loop3A_214 : f32 to vector<16xf32>
      %parallel_loop3A_216 = arith.mulf %parallel_loop3A_213, %parallel_loop3A_215 : vector<16xf32>
      %parallel_loop3A_217 = arith.index_cast %parallel_loop3A_191 : i32 to index
      %parallel_loop3A_218 = arith.index_cast %parallel_loop3A_209 : i32 to index
      %parallel_loop3A_219 = tpu.vector_load %arg6[%parallel_loop3A_217, %parallel_loop3A_218] {strides = array<i32>} : memref<32x1024xf32, #tpu.memory_space<vmem>>, vector<1x16xf32>,
      %parallel_loop3A_220 = vector.shape_cast %parallel_loop3A_219 : vector<1x16xf32> to vector<16xf32>
      %parallel_loop3A_221 = vector.shape_cast %parallel_loop3A_216 : vector<16xf32> to vector<1x16xf32>
      tpu.vector_store %arg6[%parallel_loop3A_217, %parallel_loop3A_218], %parallel_loop3A_221 {strides = array<i32>} : memref<32x1024xf32, #tpu.memory_space<vmem>>, vector<1x16xf32>,
    } {sc.loop_unroll_factor = 8 : i64, sc.parallel_access}
    %mul3A_131 = arith.constant 512 : i32
    %mul3A_132 = arith.muli %add3A, %mul3A_131 : i32
    %add3A_133 = arith.constant 480 : i32
    %add3A_134 = arith.addi %mul3A_132, %add3A_133 : i32
    %multiple_of3A_135 = tpu.assume_multiple %add3A_134, 32 : i32
    %dma_start3A_136 = arith.constant 0 : i32
    %dma_start3A_137 = tpu.memref_slice %arg4[%multiple_of3A_135, %dma_start3A_136] : memref<16384x1024xf32, #tpu.memory_space<hbm>> -> memref<32x1024xf32, #tpu.memory_space<hbm>>
    %dma_start3A_138 = arith.constant 0 : i32
    %dma_start3A_139 = tpu.memref_slice %arg4[%multiple_of3A_135, %dma_start3A_138] : memref<16384x1024xf32, #tpu.memory_space<hbm>> -> memref<32x1024xf32, #tpu.memory_space<hbm>>
    tpu.enqueue_dma source(%arg6 : memref<32x1024xf32, #tpu.memory_space<vmem>>) target(%dma_start3A_139 : memref<32x1024xf32, #tpu.memory_space<hbm>>) target_semaphore(%arg12 : memref<!tpu.dma_semaphore, #tpu.memory_space<semaphore_mem>>)
    %mul3A_140 = arith.constant 512 : i32
    %mul3A_141 = arith.muli %add3A, %mul3A_140 : i32
    %add3A_142 = arith.constant 416 : i32
    %add3A_143 = arith.addi %mul3A_141, %add3A_142 : i32
    %multiple_of3A_144 = tpu.assume_multiple %add3A_143, 32 : i32
    %dma_wait3A_145 = arith.constant 0 : i32
    %dma_wait3A_146 = tpu.memref_slice %arg4[%multiple_of3A_144, %dma_wait3A_145] : memref<16384x1024xf32, #tpu.memory_space<hbm>> -> memref<32x1024xf32, #tpu.memory_space<hbm>>
    %dma_wait3A_147 = arith.constant 0 : i32
    %dma_wait3A_148 = tpu.memref_slice %arg4[%multiple_of3A_144, %dma_wait3A_147] : memref<16384x1024xf32, #tpu.memory_space<hbm>> -> memref<32x1024xf32, #tpu.memory_space<hbm>>
    tpu.wait_dma2 semaphore(%arg13 : memref<!tpu.dma_semaphore, #tpu.memory_space<semaphore_mem>>) src(%arg7 : memref<32x1024xf32, #tpu.memory_space<vmem>>) dst(%dma_wait3A_148 : memref<32x1024xf32, #tpu.memory_space<hbm>>)
    %mul3A_149 = arith.constant 512 : i32
    %mul3A_150 = arith.muli %add3A, %mul3A_149 : i32
    %add3A_151 = arith.constant 448 : i32
    %add3A_152 = arith.addi %mul3A_150, %add3A_151 : i32
    %multiple_of3A_153 = tpu.assume_multiple %add3A_152, 32 : i32
    %dma_wait3A_154 = arith.constant 0 : i32
    %dma_wait3A_155 = tpu.memref_slice %arg4[%multiple_of3A_153, %dma_wait3A_154] : memref<16384x1024xf32, #tpu.memory_space<hbm>> -> memref<32x1024xf32, #tpu.memory_space<hbm>>
    %dma_wait3A_156 = arith.constant 0 : i32
    %dma_wait3A_157 = tpu.memref_slice %arg4[%multiple_of3A_153, %dma_wait3A_156] : memref<16384x1024xf32, #tpu.memory_space<hbm>> -> memref<32x1024xf32, #tpu.memory_space<hbm>>
    tpu.wait_dma2 semaphore(%arg14 : memref<!tpu.dma_semaphore, #tpu.memory_space<semaphore_mem>>) src(%arg8 : memref<32x1024xf32, #tpu.memory_space<vmem>>) dst(%dma_wait3A_157 : memref<32x1024xf32, #tpu.memory_space<hbm>>)
    %mul3A_158 = arith.constant 512 : i32
    %mul3A_159 = arith.muli %add3A, %mul3A_158 : i32
    %add3A_160 = arith.constant 480 : i32
    %add3A_161 = arith.addi %mul3A_159, %add3A_160 : i32
    %multiple_of3A_162 = tpu.assume_multiple %add3A_161, 32 : i32
    %dma_wait3A_163 = arith.constant 0 : i32
    %dma_wait3A_164 = tpu.memref_slice %arg4[%multiple_of3A_162, %dma_wait3A_163] : memref<16384x1024xf32, #tpu.memory_space<hbm>> -> memref<32x1024xf32, #tpu.memory_space<hbm>>
    %dma_wait3A_165 = arith.constant 0 : i32
    %dma_wait3A_166 = tpu.memref_slice %arg4[%multiple_of3A_162, %dma_wait3A_165] : memref<16384x1024xf32, #tpu.memory_space<hbm>> -> memref<32x1024xf32, #tpu.memory_space<hbm>>
    tpu.wait_dma2 semaphore(%arg12 : memref<!tpu.dma_semaphore, #tpu.memory_space<semaphore_mem>>) src(%arg6 : memref<32x1024xf32, #tpu.memory_space<vmem>>) dst(%dma_wait3A_166 : memref<32x1024xf32, #tpu.memory_space<hbm>>)
    return
  }
}

</mosaic_0001>

<sc_bundles>
// kernel: kernel.3.cloned.1.call-start
scs
__scs_entry_jumppad:
0x0: {  	(pc) =	sbr.rel $0x88, $3  }
0x1: {  	(tag) =	ssettag $0x0;
	lr =	simm.s32 $0x1  }
0x2: {  	[smem:$0x3F9F] =	sst lr;
	_ =	strace $0xD0000000  }
0x3: {  	_ = 	snop  }
0x4: {  	_ = 	snop  }
0x5: {  	_ = 	snop  }
0x6: {  	_ = 	snop  }
0x7: {  	_ = 	snop  }
__scs_overlays_trampoline_lowered:
0x8: {  	[smem:$0x3FAE] =	sst s0  }
0x9: {  	[smem:$0x3FAF] =	sst s1  }
0xa: {  	[smem:$0x3FB0] =	sst s2  }
0xb: {  	[smem:$0x3FB1] =	sst s3  }
0xc: {  	[smem:$0x3FB2] =	sst s4  }
0xd: {  	[smem:$0x3FB3] =	sst s5  }
0xe: {  	[smem:$0x3FB4] =	sst s6  }
0xf: {  	[smem:$0x3FB5] =	sst s7  }
0x10: {  	[smem:$0x3FB6] =	sst s8  }
0x11: {  	[smem:$0x3FB7] =	sst s9;
	s0 =	simm.s32 @!p0 $0x0  }
0x12: {  	s1 =	sld [smem:$0x3F9D];
	s0 =	simm.s32 @p0 $0x1  }
0x13: {  	[smem:$0x3FB8] =	sst s0;
	s0 =	simm.s32 @!p1 $0x0  }
0x14: {  	s2 =	sld [smem:$0x3F9C];
	s0 =	simm.s32 @p1 $0x1  }
0x15: {  	[smem:$0x3FB9] =	sst s0;
	s0 =	simm.s32 @!p2 $0x0  }
0x16: {  	s3 =	sld [smem:$0x3FDB];
	s0 =	simm.s32 @p2 $0x1  }
0x17: {  	s4 =	simm.s32 $0x1BF5;
	[smem:$0x3FBB] =	sst s0  }
0x18: {  	s0 =	sld [smem:$0x3F9E];
	_ =	swait.ge [sflag:s4], $0x0  }
0x19: {  	s7 =	sld [smem:$0x3F9F]  }
0x1a: {  	s8 =	sadd.s32 $0xFFFFE003, lr  }
0x1b: {  	s9 =	sadd.s32 $0xFFFFFEF7, lr;
	s5 =	simm.s32 $0xFFFFFFFF;
	p2 =	slt.u32 s8, $0xFFFFF086  }
0x1c: {  	p1 =	slt.u32 s9, $0xF7A;
	s5 =	simm.s32 @!p2 $0x0  }
0x1d: {  	s5 =	simm.s32 @p1 $0x1;
	p0 =	seq.s32 s7, s2  }
0x1e: {  	s7 =	smul.u32 @!p0 $0xF7A, s2;
	p2 =	seq.s32 @!p0 s5, $0x0  }
0x1f: {  	s9 =	smul.u32 $0xF7A, s1;
	s8 =	simm.s32 @!p0 $0x1BF5;
	p2 =	por !p2, p0  }
0x20: {  	[sflag:s8] =	ssyncset.s32 @!p0 $0xFFFFF086;
	s6 =	sadd.s32 @!p0 s3, s7;
	s7 =	simm.s32 @!p0 $0x108  }
0x21: {  	s3 =	sadd.s32 s3, s9;
	s6 =	sadd.s32 @!p0 $0x88, s6;
	s7 =	simm.s32 @p2 $0x1082  }
0x22: {  	[simem:s7], [sflag:s8] =	dma.local @!p0 [hbm:s6], $0xF7A  }
0x23: {  	s9 =	sor.u32 $0xD0000000, s2;
	s6 =	simm.s32 $0x108;
	_ =	swait.ge @!p0 [sflag:s8], $0x0  }
0x24: {  	s3 =	sadd.s32 $0x88, s3;
	s6 =	simm.s32 @!p1 $0x1082;
	[sflag:s4] =	ssyncset.s32 $0xFFFFF086  }
0x25: {  	[simem:s6], [sflag:s4] =	dma.local [hbm:s3], $0xF7A  }
0x26: {  	[smem:$0x3F9F] =	sst s1;
	(tag) =	ssettag s2;
	_ =	strace s9  }
0x27: {  	s1 =	sld [smem:$0x3FAF]  }
0x28: {  	s2 =	sld [smem:$0x3FB0]  }
0x29: {  	s4 =	sld [smem:$0x3FB2]  }
0x2a: {  	p0 =	seq.s32 s5, $0x0;
	s5 =	sld [smem:$0x3FB3]  }
0x2b: {  	s6 =	sld [smem:$0x3FB4]  }
0x2c: {  	s7 =	sld [smem:$0x3FB5]  }
0x2d: {  	s3 =	simm.s32 $0x108;
	s8 =	sld [smem:$0x3FB6]  }
0x2e: {  	s3 =	simm.s32 @!p0 $0x1082;
	s9 =	sld [smem:$0x3FB7]  }
0x2f: {  	lr =	sadd.s32 s0, s3;
	s0 =	sld [smem:$0x3FAE]  }
0x30: {  	s3 =	sld [smem:$0x3FB1]  }
0x31: {  	[smem:$0x3FBA] =	sst s10  }
0x32: {  	s10 =	sld [smem:$0x3FB8];
	_ =	sdelay $0x3  }
0x33: {  	p0 =	seq.s32 s10, $0x1;
	s10 =	sld [smem:$0x3FBA];
	_ =	sdelay $0x3  }
0x34: {  	[smem:$0x3FBA] =	sst s10  }
0x35: {  	s10 =	sld [smem:$0x3FB9];
	_ =	sdelay $0x3  }
0x36: {  	p1 =	seq.s32 s10, $0x1;
	s10 =	sld [smem:$0x3FBA];
	_ =	sdelay $0x3  }
0x37: {  	[smem:$0x3FBA] =	sst s10  }
0x38: {  	s10 =	sld [smem:$0x3FBB]  }
0x39: {  	_ = 	snop;
	(pc) =	sbr.ind lr, $3  }
0x3a: {  	_ = 	snop  }
0x3b: {  	_ = 	snop  }
0x3c: {  	p2 =	seq.s32 s10, $0x1;
	s10 =	sld [smem:$0x3FBA]  }
0x3d: {  	_ =	shalt  }
0x3e: {  	_ =	shalt  }
0x3f: {  	_ =	shalt  }
0x40: {  	_ =	shalt  }
0x41: {  	_ =	shalt  }
0x42: {  	_ =	shalt  }
0x43: {  	_ =	shalt  }
0x44: {  	_ =	shalt  }
0x45: {  	_ =	shalt  }
0x46: {  	_ =	shalt  }
0x47: {  	_ =	shalt  }
0x48: {  	_ =	shalt  }
0x49: {  	_ =	shalt  }
0x4a: {  	_ =	shalt  }
0x4b: {  	_ =	shalt  }
0x4c: {  	_ =	shalt  }
0x4d: {  	_ =	shalt  }
0x4e: {  	_ =	shalt  }
0x4f: {  	_ =	shalt  }
0x50: {  	_ =	shalt  }
0x51: {  	_ =	shalt  }
0x52: {  	_ =	shalt  }
0x53: {  	_ =	shalt  }
0x54: {  	_ =	shalt  }
0x55: {  	_ =	shalt  }
0x56: {  	_ =	shalt  }
0x57: {  	_ =	shalt  }
0x58: {  	_ =	shalt  }
0x59: {  	_ =	shalt  }
0x5a: {  	_ =	shalt  }
0x5b: {  	_ =	shalt  }
0x5c: {  	_ =	shalt  }
0x5d: {  	_ =	shalt  }
0x5e: {  	_ =	shalt  }
0x5f: {  	_ =	shalt  }
0x60: {  	_ =	shalt  }
0x61: {  	_ =	shalt  }
0x62: {  	_ =	shalt  }
0x63: {  	_ =	shalt  }
0x64: {  	_ =	shalt  }
0x65: {  	_ =	shalt  }
0x66: {  	_ =	shalt  }
0x67: {  	_ =	shalt  }
0x68: {  	_ =	shalt  }
0x69: {  	_ =	shalt  }
0x6a: {  	_ =	shalt  }
0x6b: {  	_ =	shalt  }
0x6c: {  	_ =	shalt  }
0x6d: {  	_ =	shalt  }
0x6e: {  	_ =	shalt  }
0x6f: {  	_ =	shalt  }
0x70: {  	_ =	shalt  }
0x71: {  	_ =	shalt  }
0x72: {  	_ =	shalt  }
0x73: {  	_ =	shalt  }
0x74: {  	_ =	shalt  }
0x75: {  	_ =	shalt  }
0x76: {  	_ =	shalt  }
0x77: {  	_ =	shalt  }
0x78: {  	_ =	shalt  }
0x79: {  	_ =	shalt  }
0x7a: {  	_ =	shalt  }
0x7b: {  	_ =	shalt  }
0x7c: {  	_ =	shalt  }
0x7d: {  	_ =	shalt  }
0x7e: {  	_ =	shalt  }
0x7f: {  	_ =	shalt  }
0x80: {  	_ =	shalt  }
0x81: {  	_ =	shalt  }
0x82: {  	_ =	shalt  }
0x83: {  	_ =	shalt  }
0x84: {  	_ =	shalt  }
0x85: {  	_ =	shalt  }
0x86: {  	_ =	shalt  }
0x87: {  	_ =	shalt  }
.Lfunc_end0:
.L_simem_size_0:
called_computation_lowered:
.L_overlay_start_0:
0x88: {  	s2 =	sld [smem:$0x3FD9]  }
0x89: {  	s3 =	sld [smem:$0x3FFE];
	_ =	sdelay $0x1  }
0x8a: {  	s1 =	srdreg.scid  }
0x8b: {  	s0 =	sand.u32 $0x1, s1  }
0x8c: {  	s18 =	sshll.u32 s0, $0xA;
	s2 =	sadd.s32 s3, s2  }
0x8d: {  	s2 =	sadd.s32 s2, s18  }
0x8e: {  	[smem:$0x3FC6] =	sst s2  }
0x8f: {  	_ = 	snop  }
0x90: {  	s2 =	sld [smem:$0x3FC9]  }
0x91: {  	s19 =	sld [smem:$0x3FC8]  }
0x92: {  	s4 =	sld [smem:$0x3FD0];
	(tm) =	ssettm $0x1  }
0x93: {  	s5 =	sld [smem:$0x3FFB];
	_ =	sdelay $0x3  }
0x94: {  	_ =	strace s5  }
0x95: {  	s5 =	sld [smem:$0x3FFC];
	_ =	sdelay $0x3  }
0x96: {  	_ =	strace s5  }
0x97: {  	s5 =	sld [smem:$0x3FFD];
	_ =	sdelay $0x3  }
0x98: {  	_ =	strace s5  }
0x99: {  	_ =	strace $0x8FFFFFFF  }
0x9a: {  	s20 =	sld [smem:$0x3FDB];
	_ =	sdelay $0x1  }
0x9b: {  	s6 =	simm.s32 $_scs_section_size  }
0x9c: {  	s7 =	simm.s32 $_size__tile_overlayer_lowered;
	s8 =	simm.s32 $_tile_overlayer_lowered  }
0x9d: {  	s23 =	simm.s32 $0x1BFF;
	s22 =	sshll.u32 s8, $0x1;
	s5 =	sadd.s32 s6, s20  }
0x9e: {  	s9 =	simm.s32 $0x0;
	s21 =	sshll.u32 s7, $0x1;
	s7 =	sadd.s32 s22, s5  }
0x9f: {  	[timem:s9], [sflag:s23] =	dma.local [hbm:s7], s21  }
0xa0: {  	_ =	swait.ge [sflag:s23], s21  }
0xa1: {  	s6 =	ssub.s32 $0x0, s21;
	[sflag:s23] =	ssyncset.done $0x0  }
0xa2: {  	[sflag:s23] =	ssyncadd.s32 s6;
	_ =	sdelay $0x1  }
0xa3: {  	s24 =	simm.s32 $0x1B8B  }
0xa4: {  	_ =	swait.ge [sflag:s24], $0x1  }
0xa5: {  	[sflag:s24] =	ssyncset.done $0x0  }
0xa6: {  	s25 =	simm.s32 $0x1B8E;
	[sflag:s24] =	ssyncadd.s32 $0xFFFFFFFF  }
0xa7: {  	s26 =	simm.s32 $execute0_lowered;
	[smem:$0x3FD2] =	sst s25  }
0xa8: {  	s6 =	sshll.u32 s26, $0x1;
	_ =	strace $0x80000046;
	[dreg:$0x1] =	wrdreg $0xFFFFFFFF  }
0xa9: {  	s28 =	simm.s32 $_size_execute0_lowered;
	s5 =	sadd.s32 s5, s6;
	[dreg:$0x0] =	wrdreg $0x0  }
0xaa: {  	s6 =	sshll.u32 s28, $0x1;
	[dreg:$0x2] =	wrdreg s5  }
0xab: {  	[dreg:$0x3] =	wrdreg s6  }
0xac: {  	[dreg:$0x4] =	wrdreg $0xC0  }
0xad: {  	_ =	task [dreg:s9], $0x5FFFF  }
0xae: {  	[dreg:$0x1] =	wrdreg $0xFFFFFFFF  }
0xaf: {  	[dreg:$0x0] =	wrdreg $0x60  }
0xb0: {  	[dreg:$0x2] =	wrdreg s19  }
0xb1: {  	[dreg:$0x3] =	wrdreg s2  }
0xb2: {  	[dreg:$0x4] =	wrdreg s4  }
0xb3: {  	[dreg:$0x5] =	wrdreg $0x9  }
0xb4: {  	_ =	task.clear_ibuf [dreg:s9], $0x6FFFF;
	_ =	strace $0x90000046  }
0xb5: {  	s29 =	simm.s32 $0x9;
	_ =	strace $0x80000048  }
0xb6: {  	_ =	swait.ge [sflag:s29], $0x1  }
0xb7: {  	[sflag:s29] =	ssyncadd.s32 $0xFFFFFFFF  }
0xb8: {  	_ =	strace $0x90000048  }
0xb9: {  	_ =	sfence  }
0xba: {  	s30 =	sld [smem:$0x0];
	_ =	sdelay $0x2  }
0xbb: {  	s31 =	sshll.u32 s1, $0xD;
	s1 =	sshrl.u32 s1, $0x2  }
0xbc: {  	s3 =	sand.u32 $0x4000, s31;
	s1 =	sadd.s32 s1, s30  }
0xbd: {  	s0 =	sor.u32 s3, s0;
	s1 =	sshll.u32 s1, $0x11  }
0xbe: {  	s0 =	sor.u32 s1, s0  }
0xbf: {  	s0 =	sadd.s32 $0x8F2B, s0  }
0xc0: {  	[sflag:s0] =	ssyncadd.remote.s32 $0x1  }
0xc1: {  	_ =	sfence.sel $0xFFFF  }
0xc2: {  	[dreg:$0x0] =	wrdreg $0xFFFFFFFF;
	(pc) =	sbr.abs _section_cstart, $3  }
0xc3: {  	[dreg:$0x1] =	wrdreg $0xFFFFFFFF  }
0xc4: {  	_ =	task.clear_ibuf [dreg:s9], $0x2FFFF;
	_ =	strace $0x9FFFFFFF  }
0xc5: {  	(tm) =	ssettm $0x7FFFFFFF  }
tec
execute0_lowered:
.L_overlay_start_1:
0x0: {  	(tag) =	ssettag $0x1  }
0x1: {  	s1 =	rddreg [dreg:$0x0]  }
0x2: {  	s0 =	rddreg [dreg:$0x1];
	s2 =	srdreg.scid  }
0x3: {  	s7 =	stileid.u32;
	s3 =	rddreg [dreg:$0x2]  }
0x4: {  	s19 =	simm.s32 $0x200;
	s12 =	simm.s32 $0x7A00;
	s15 =	simm.s32 $0x8200  }
0x5: {  	s16 =	simm.s32 $0x10200;
	s11 =	simm.s32 $0x1;
	s20 =	simm.s32 $0x2  }
0x6: {  	s18 =	simm.s32 $0x3;
	s28 =	simm.s32 $0x6;
	s2 =	sand.u32 $0x1, s2  }
0x7: {  	s4 =	sshll.u32 s7, $0x1;
	s7 =	sshll.u32 s7, $0x2;
	s8 =	sadd.s32 $0x300, s1  }
0x8: {  	s5 =	sor.u32 s2, s4;
	s4 =	simm.s32 $0x0;
	s2 =	ssub.s32 $0x2, s2  }
0x9: {  	s6 =	sshll.u32 s5, $0x8;
	[smem:$0x7FF] =	sst s4;
	s25 =	sshrl.u32 s2, $0x1  }
0xa: {  	s26 =	sshll.u32 s5, $0x10;
	s6 =	sor.u32 s7, s6;
	s2 =	ssub.s32 s2, s25  }
0xb: {  	s10 =	sshll.u32 s5, $0x9;
	s6 =	sand.u32 $0x730, s6;
	s31 =	smax.u32 s2, $0x1  }
0xc: {  	_ =	strace $0x80000047;
	s9 =	sadd.s32 s0, s6;
	[dreg:$0xa] =	wrdreg s31  }
0xd: {  	s7 =	sadd.s32 $0x200, s1;
	s0 =	sadd.s32 s3, s26;
	[dreg:$0x4] =	wrdreg s9  }
0xe: {  	s13 =	sor.u32 $0x40, s10;
	s9 =	sadd.s32 $0x40, s9;
	[dreg:$0x6] =	wrdreg s0  }
0xf: {  	s14 =	sor.u32 $0x60, s10;
	s29 =	sadd.s32 $0x1000, s0;
	[dreg:$0x5] =	wrdreg s9  }
0x10: {  	v2 =	vlaneseq.u32;
	s25 =	simm.s32 $0x4;
	s30 =	sadd.s32 $0xE000, s0;
	[dreg:$0x7] =	wrdreg s29  }
0x11: {  	vm0 =	vmmov $0xffff;
	v1 =	vshrl.u32 v2, $0x3;
	s2 =	simm.s32 $0x0;
	s0 =	sadd.s32 $0xF000, s0;
	[dreg:$0x8] =	wrdreg s30  }
0x12: {  	v0 =	vand.u32 $0x7, v2;
	v2 =	vor.u32 $0x8, v2;
	v1 =	vmul.u32 $0x8, v1;
	s6 =	sadd.s32 $0x100, s1;
	s26 =	simm.s32 $0x5;
	[dreg:$0x9] =	wrdreg s0  }
.LBB2_1:
0x13: {  	[dreg:$0xb] =	wrdreg s2  }
0x14: {  	s0 =	rddreg [dreg:$0x4];
	s2 =	simm.s32 $0x7  }
0x15: {  	[tilespmem:s4], [sflag:$0x7] =	stream.linear.gather [hbm4b:s0+s4], $0x80, $0x38;
	[tilespmem:$0x18200] =	vst v63  }
0x16: {  	_ =	swait.ge [sflag:s2], $0x80  }
0x17: {  	[sflag:s2] =	ssyncset.done $0x0  }
0x18: {  	[sflag:s2] =	ssyncadd.s32 $0xFFFFFF80  }
0x19: {  	v3 =	vld [tilespmem:$0x0];
	_ =	sdelay $0x4  }
0x1a: {  	v4 =	vshll.u32 v3, $0x3  }
0x1b: {  	v3 =	vand.u32 $0x7, v3;
	v4 =	vand.u32 $0xFFFFFFC0, v4  }
0x1c: {  	v3 =	vor.u32 v3, v4  }
0x1d: {  	v4 =	vperm.xlane v3, v0;
	_ =	sdelay $0x1  }
0x1e: {  	v4 =	vadd.s32 v1, v4;
	_ =	sdelay $0x4  }
0x1f: {  	[tilespmem:s19], [sflag:$0x1] =	stream.indirect_vreg.gather [hbm4b:s1+s4], $0x80, v4, vm0, $0xb8;
	[tilespmem:$0x18200] =	vst v63  }
0x20: {  	s17 =	simm.s32 $0xA00;
	v3 =	vperm.xlane v3, v2  }
0x21: {  	[tilespmem:s17], [sflag:$0x1] =	stream.indirect_vreg.gather [hbm4b:s6+s4], $0x80, v4, vm0, $0xb8;
	[tilespmem:$0x18200] =	vst v63  }
0x22: {  	s21 =	simm.s32 $0x1200;
	v3 =	vadd.s32 v1, v3  }
0x23: {  	[tilespmem:s21], [sflag:$0x1] =	stream.indirect_vreg.gather [hbm4b:s7+s4], $0x80, v4, vm0, $0xb8;
	[tilespmem:$0x18200] =	vst v63  }
0x24: {  	s22 =	simm.s32 $0x1A00  }
0x25: {  	[tilespmem:s22], [sflag:$0x1] =	stream.indirect_vreg.gather [hbm4b:s8+s4], $0x80, v4, vm0, $0xb8;
	[tilespmem:$0x18200] =	vst v63  }
0x26: {  	s23 =	simm.s32 $0x2200  }
0x27: {  	[tilespmem:s23], [sflag:$0x1] =	stream.indirect_vreg.gather [hbm4b:s1+s4], $0x80, v3, vm0, $0xb8;
	[tilespmem:$0x18200] =	vst v63  }
0x28: {  	s24 =	simm.s32 $0x2A00  }
0x29: {  	[tilespmem:s24], [sflag:$0x1] =	stream.indirect_vreg.gather [hbm4b:s6+s4], $0x80, v3, vm0, $0xb8;
	[tilespmem:$0x18200] =	vst v63  }
0x2a: {  	s29 =	simm.s32 $0x3200  }
0x2b: {  	[tilespmem:s29], [sflag:$0x1] =	stream.indirect_vreg.gather [hbm4b:s7+s4], $0x80, v3, vm0, $0xb8;
	[tilespmem:$0x18200] =	vst v63  }
0x2c: {  	s30 =	simm.s32 $0x3A00  }
0x2d: {  	[tilespmem:s30], [sflag:$0x1] =	stream.indirect_vreg.gather [hbm4b:s8+s4], $0x80, v3, vm0, $0xb8;
	[tilespmem:$0x18200] =	vst v63  }
0x2e: {  	v3 =	vld [tilespmem:$0x10];
	_ =	sdelay $0x4  }
0x2f: {  	v4 =	vshll.u32 v3, $0x3  }
0x30: {  	v3 =	vand.u32 $0x7, v3;
	v4 =	vand.u32 $0xFFFFFFC0, v4  }
0x31: {  	v3 =	vor.u32 v3, v4  }
0x32: {  	v4 =	vperm.xlane v3, v0;
	_ =	sdelay $0x1  }
0x33: {  	v4 =	vadd.s32 v1, v4;
	_ =	sdelay $0x3  }
0x34: {  	s31 =	simm.s32 $0x4200  }
0x35: {  	[tilespmem:s31], [sflag:$0x1] =	stream.indirect_vreg.gather [hbm4b:s1+s4], $0x80, v4, vm0, $0xb8;
	[tilespmem:$0x18200] =	vst v63  }
0x36: {  	s5 =	simm.s32 $0x4A00;
	v3 =	vperm.xlane v3, v2  }
0x37: {  	[tilespmem:s5], [sflag:$0x1] =	stream.indirect_vreg.gather [hbm4b:s6+s4], $0x80, v4, vm0, $0xb8;
	[tilespmem:$0x18200] =	vst v63  }
0x38: {  	s9 =	simm.s32 $0x5200;
	v3 =	vadd.s32 v1, v3  }
0x39: {  	[tilespmem:s9], [sflag:$0x1] =	stream.indirect_vreg.gather [hbm4b:s7+s4], $0x80, v4, vm0, $0xb8;
	[tilespmem:$0x18200] =	vst v63  }
0x3a: {  	s17 =	simm.s32 $0x5A00  }
0x3b: {  	[tilespmem:s17], [sflag:$0x1] =	stream.indirect_vreg.gather [hbm4b:s8+s4], $0x80, v4, vm0, $0xb8;
	[tilespmem:$0x18200] =	vst v63  }
0x3c: {  	s21 =	simm.s32 $0x6200  }
0x3d: {  	[tilespmem:s21], [sflag:$0x1] =	stream.indirect_vreg.gather [hbm4b:s1+s4], $0x80, v3, vm0, $0xb8;
	[tilespmem:$0x18200] =	vst v63  }
0x3e: {  	s22 =	simm.s32 $0x6A00  }
0x3f: {  	[tilespmem:s22], [sflag:$0x1] =	stream.indirect_vreg.gather [hbm4b:s6+s4], $0x80, v3, vm0, $0xb8;
	[tilespmem:$0x18200] =	vst v63  }
0x40: {  	s23 =	simm.s32 $0x7200  }
0x41: {  	[tilespmem:s23], [sflag:$0x1] =	stream.indirect_vreg.gather [hbm4b:s7+s4], $0x80, v3, vm0, $0xb8;
	[tilespmem:$0x18200] =	vst v63  }
0x42: {  	_ = 	snop  }
0x43: {  	[tilespmem:s12], [sflag:$0x1] =	stream.indirect_vreg.gather [hbm4b:s8+s4], $0x80, v3, vm0, $0xb8;
	[tilespmem:$0x18200] =	vst v63  }
0x44: {  	s24 =	rddreg [dreg:$0x5];
	s5 =	simm.s32 $0x80  }
0x45: {  	[tilespmem:s5], [sflag:$0x7] =	stream.strided.gather [hbm4b:s24+s5], $0x180, s19, s5, $0x38;
	[tilespmem:$0x18200] =	vst v63  }
0x46: {  	_ =	swait.ge [sflag:s2], $0x180  }
0x47: {  	[sflag:s2] =	ssyncset.done $0x0  }
0x48: {  	[sflag:s2] =	ssyncadd.s32 $0xFFFFFE80  }
0x49: {  	v3 =	vld [tilespmem:$0x20];
	_ =	sdelay $0x4  }
0x4a: {  	v4 =	vshll.u32 v3, $0x3  }
0x4b: {  	v3 =	vand.u32 $0x7, v3;
	v4 =	vand.u32 $0xFFFFFFC0, v4  }
0x4c: {  	v3 =	vor.u32 v3, v4  }
0x4d: {  	v4 =	vperm.xlane v3, v0;
	_ =	sdelay $0x1  }
0x4e: {  	v4 =	vadd.s32 v1, v4;
	_ =	sdelay $0x4  }
0x4f: {  	[tilespmem:s15], [sflag:$0x2] =	stream.indirect_vreg.gather [hbm4b:s1+s4], $0x80, v4, vm0, $0xb8;
	[tilespmem:$0x18200] =	vst v63  }
0x50: {  	s29 =	simm.s32 $0x8A00;
	v3 =	vperm.xlane v3, v2  }
0x51: {  	[tilespmem:s29], [sflag:$0x2] =	stream.indirect_vreg.gather [hbm4b:s6+s4], $0x80, v4, vm0, $0xb8;
	[tilespmem:$0x18200] =	vst v63  }
0x52: {  	s30 =	simm.s32 $0x9200;
	v3 =	vadd.s32 v1, v3  }
0x53: {  	[tilespmem:s30], [sflag:$0x2] =	stream.indirect_vreg.gather [hbm4b:s7+s4], $0x80, v4, vm0, $0xb8;
	[tilespmem:$0x18200] =	vst v63  }
0x54: {  	s31 =	simm.s32 $0x9A00  }
0x55: {  	[tilespmem:s31], [sflag:$0x2] =	stream.indirect_vreg.gather [hbm4b:s8+s4], $0x80, v4, vm0, $0xb8;
	[tilespmem:$0x18200] =	vst v63  }
0x56: {  	s2 =	simm.s32 $0xA200  }
0x57: {  	[tilespmem:s2], [sflag:$0x2] =	stream.indirect_vreg.gather [hbm4b:s1+s4], $0x80, v3, vm0, $0xb8;
	[tilespmem:$0x18200] =	vst v63  }
0x58: {  	s5 =	simm.s32 $0xAA00  }
0x59: {  	[tilespmem:s5], [sflag:$0x2] =	stream.indirect_vreg.gather [hbm4b:s6+s4], $0x80, v3, vm0, $0xb8;
	[tilespmem:$0x18200] =	vst v63  }
0x5a: {  	s9 =	simm.s32 $0xB200  }
0x5b: {  	[tilespmem:s9], [sflag:$0x2] =	stream.indirect_vreg.gather [hbm4b:s7+s4], $0x80, v3, vm0, $0xb8;
	[tilespmem:$0x18200] =	vst v63  }
0x5c: {  	s17 =	simm.s32 $0xBA00  }
0x5d: {  	[tilespmem:s17], [sflag:$0x2] =	stream.indirect_vreg.gather [hbm4b:s8+s4], $0x80, v3, vm0, $0xb8;
	[tilespmem:$0x18200] =	vst v63  }
0x5e: {  	v3 =	vld [tilespmem:$0x30];
	_ =	sdelay $0x4  }
0x5f: {  	v4 =	vshll.u32 v3, $0x3  }
0x60: {  	v3 =	vand.u32 $0x7, v3;
	v4 =	vand.u32 $0xFFFFFFC0, v4  }
0x61: {  	v3 =	vor.u32 v3, v4  }
0x62: {  	v4 =	vperm.xlane v3, v0;
	_ =	sdelay $0x1  }
0x63: {  	v4 =	vadd.s32 v1, v4;
	_ =	sdelay $0x3  }
0x64: {  	s21 =	simm.s32 $0xC200  }
0x65: {  	[tilespmem:s21], [sflag:$0x2] =	stream.indirect_vreg.gather [hbm4b:s1+s4], $0x80, v4, vm0, $0xb8;
	[tilespmem:$0x18200] =	vst v63  }
0x66: {  	s22 =	simm.s32 $0xCA00;
	v3 =	vperm.xlane v3, v2  }
0x67: {  	[tilespmem:s22], [sflag:$0x2] =	stream.indirect_vreg.gather [hbm4b:s6+s4], $0x80, v4, vm0, $0xb8;
	[tilespmem:$0x18200] =	vst v63  }
0x68: {  	s23 =	simm.s32 $0xD200;
	v3 =	vadd.s32 v1, v3  }
0x69: {  	[tilespmem:s23], [sflag:$0x2] =	stream.indirect_vreg.gather [hbm4b:s7+s4], $0x80, v4, vm0, $0xb8;
	[tilespmem:$0x18200] =	vst v63  }
0x6a: {  	s24 =	simm.s32 $0xDA00  }
0x6b: {  	[tilespmem:s24], [sflag:$0x2] =	stream.indirect_vreg.gather [hbm4b:s8+s4], $0x80, v4, vm0, $0xb8;
	[tilespmem:$0x18200] =	vst v63  }
0x6c: {  	s29 =	simm.s32 $0xE200  }
0x6d: {  	[tilespmem:s29], [sflag:$0x2] =	stream.indirect_vreg.gather [hbm4b:s1+s4], $0x80, v3, vm0, $0xb8;
	[tilespmem:$0x18200] =	vst v63  }
0x6e: {  	s30 =	simm.s32 $0xEA00  }
0x6f: {  	[tilespmem:s30], [sflag:$0x2] =	stream.indirect_vreg.gather [hbm4b:s6+s4], $0x80, v3, vm0, $0xb8;
	[tilespmem:$0x18200] =	vst v63  }
0x70: {  	s31 =	simm.s32 $0xF200  }
0x71: {  	[tilespmem:s31], [sflag:$0x2] =	stream.indirect_vreg.gather [hbm4b:s7+s4], $0x80, v3, vm0, $0xb8;
	[tilespmem:$0x18200] =	vst v63  }
0x72: {  	s2 =	simm.s32 $0xFA00  }
0x73: {  	[tilespmem:s2], [sflag:$0x2] =	stream.indirect_vreg.gather [hbm4b:s8+s4], $0x80, v3, vm0, $0xb8;
	[tilespmem:$0x18200] =	vst v63  }
0x74: {  	v3 =	vld [tilespmem:$0x40];
	_ =	sdelay $0x4  }
0x75: {  	v4 =	vshll.u32 v3, $0x3  }
0x76: {  	v3 =	vand.u32 $0x7, v3;
	v4 =	vand.u32 $0xFFFFFFC0, v4  }
0x77: {  	v3 =	vor.u32 v3, v4  }
0x78: {  	v4 =	vperm.xlane v3, v0;
	_ =	sdelay $0x1  }
0x79: {  	v4 =	vadd.s32 v1, v4;
	_ =	sdelay $0x4  }
0x7a: {  	[tilespmem:s16], [sflag:$0x3] =	stream.indirect_vreg.gather [hbm4b:s1+s4], $0x80, v4, vm0, $0xb8;
	[tilespmem:$0x18200] =	vst v63  }
0x7b: {  	s5 =	simm.s32 $0x10A00;
	v3 =	vperm.xlane v3, v2  }
0x7c: {  	[tilespmem:s5], [sflag:$0x3] =	stream.indirect_vreg.gather [hbm4b:s6+s4], $0x80, v4, vm0, $0xb8;
	[tilespmem:$0x18200] =	vst v63  }
0x7d: {  	s9 =	simm.s32 $0x11200;
	v3 =	vadd.s32 v1, v3  }
0x7e: {  	[tilespmem:s9], [sflag:$0x3] =	stream.indirect_vreg.gather [hbm4b:s7+s4], $0x80, v4, vm0, $0xb8;
	[tilespmem:$0x18200] =	vst v63  }
0x7f: {  	s17 =	simm.s32 $0x11A00  }
0x80: {  	[tilespmem:s17], [sflag:$0x3] =	stream.indirect_vreg.gather [hbm4b:s8+s4], $0x80, v4, vm0, $0xb8;
	[tilespmem:$0x18200] =	vst v63  }
0x81: {  	s21 =	simm.s32 $0x12200  }
0x82: {  	[tilespmem:s21], [sflag:$0x3] =	stream.indirect_vreg.gather [hbm4b:s1+s4], $0x80, v3, vm0, $0xb8;
	[tilespmem:$0x18200] =	vst v63  }
0x83: {  	s22 =	simm.s32 $0x12A00  }
0x84: {  	[tilespmem:s22], [sflag:$0x3] =	stream.indirect_vreg.gather [hbm4b:s6+s4], $0x80, v3, vm0, $0xb8;
	[tilespmem:$0x18200] =	vst v63  }
0x85: {  	s23 =	simm.s32 $0x13200  }
0x86: {  	[tilespmem:s23], [sflag:$0x3] =	stream.indirect_vreg.gather [hbm4b:s7+s4], $0x80, v3, vm0, $0xb8;
	[tilespmem:$0x18200] =	vst v63  }
0x87: {  	s24 =	simm.s32 $0x13A00  }
0x88: {  	[tilespmem:s24], [sflag:$0x3] =	stream.indirect_vreg.gather [hbm4b:s8+s4], $0x80, v3, vm0, $0xb8;
	[tilespmem:$0x18200] =	vst v63  }
0x89: {  	v3 =	vld [tilespmem:$0x50];
	_ =	sdelay $0x4  }
0x8a: {  	v4 =	vshll.u32 v3, $0x3  }
0x8b: {  	v3 =	vand.u32 $0x7, v3;
	v4 =	vand.u32 $0xFFFFFFC0, v4  }
0x8c: {  	v3 =	vor.u32 v3, v4  }
0x8d: {  	v4 =	vperm.xlane v3, v0;
	_ =	sdelay $0x1  }
0x8e: {  	v4 =	vadd.s32 v1, v4;
	_ =	sdelay $0x3  }
0x8f: {  	s29 =	simm.s32 $0x14200  }
0x90: {  	[tilespmem:s29], [sflag:$0x3] =	stream.indirect_vreg.gather [hbm4b:s1+s4], $0x80, v4, vm0, $0xb8;
	[tilespmem:$0x18200] =	vst v63  }
0x91: {  	s30 =	simm.s32 $0x14A00;
	v3 =	vperm.xlane v3, v2  }
0x92: {  	[tilespmem:s30], [sflag:$0x3] =	stream.indirect_vreg.gather [hbm4b:s6+s4], $0x80, v4, vm0, $0xb8;
	[tilespmem:$0x18200] =	vst v63  }
0x93: {  	s31 =	simm.s32 $0x15200;
	v3 =	vadd.s32 v1, v3  }
0x94: {  	[tilespmem:s31], [sflag:$0x3] =	stream.indirect_vreg.gather [hbm4b:s7+s4], $0x80, v4, vm0, $0xb8;
	[tilespmem:$0x18200] =	vst v63  }
0x95: {  	s2 =	simm.s32 $0x15A00  }
0x96: {  	[tilespmem:s2], [sflag:$0x3] =	stream.indirect_vreg.gather [hbm4b:s8+s4], $0x80, v4, vm0, $0xb8;
	[tilespmem:$0x18200] =	vst v63  }
0x97: {  	s5 =	simm.s32 $0x16200  }
0x98: {  	[tilespmem:s5], [sflag:$0x3] =	stream.indirect_vreg.gather [hbm4b:s1+s4], $0x80, v3, vm0, $0xb8;
	[tilespmem:$0x18200] =	vst v63  }
0x99: {  	s9 =	simm.s32 $0x16A00  }
0x9a: {  	[tilespmem:s9], [sflag:$0x3] =	stream.indirect_vreg.gather [hbm4b:s6+s4], $0x80, v3, vm0, $0xb8;
	[tilespmem:$0x18200] =	vst v63  }
0x9b: {  	s17 =	simm.s32 $0x17200;
	s22 =	simm.s32 $0x0  }
0x9c: {  	[tilespmem:s17], [sflag:$0x3] =	stream.indirect_vreg.gather [hbm4b:s7+s4], $0x80, v3, vm0, $0xb8;
	[tilespmem:$0x18200] =	vst v63  }
0x9d: {  	s21 =	simm.s32 $0x17A00;
	s0 =	sand.u32 $0x6000, s22  }
0x9e: {  	[tilespmem:s21], [sflag:$0x3] =	stream.indirect_vreg.gather [hbm4b:s8+s4], $0x80, v3, vm0, $0xb8;
	[tilespmem:$0x18200] =	vst v63  }
0x9f: {  	s23 =	sand.u32 $0x1C00, s4;
	s24 =	simm.s32 $0x0;
	_ =	swait.ge [sflag:s11], $0x8000  }
0xa0: {  	s0 =	sor.u32 s23, s0;
	s5 =	sand.u32 $0x380, s24;
	[sflag:s11] =	ssyncset.done $0x0  }
0xa1: {  	s21 =	sor.u32 s0, s5;
	[sflag:s11] =	ssyncadd.s32 $0xFFFF8000  }
0xa2: {  	v3 =	vld [tilespmem:s21+$0x270]  }
0xa3: {  	v4 =	vld [tilespmem:s21+$0x200]  }
0xa4: {  	v5 =	vld [tilespmem:s21+$0x210]  }
0xa5: {  	v6 =	vld [tilespmem:s21+$0x220]  }
0xa6: {  	s29 =	simm.s32 $0x80;
	s2 =	simm.s32 $0x400;
	v8 =	vld [tilespmem:s21+$0x230]  }
0xa7: {  	s30 =	sand.u32 $0x1C00, s2;
	s17 =	simm.s32 $0x10;
	s0 =	sand.u32 $0x6000, s29;
	v10 =	vld [tilespmem:s21+$0x240];
	v3 =	vmul.f32 $3.200000000e+01, v3  }
0xa8: {  	s31 =	sand.u32 $0x380, s17;
	s0 =	sor.u32 s30, s0;
	v7 =	vld [tilespmem:s21+$0x250];
	v4 =	vmul.f32 $3.200000000e+01, v4  }
0xa9: {  	s17 =	sor.u32 s0, s31;
	v9 =	vmul.f32 $3.200000000e+01, v5;
	v5 =	vld [tilespmem:s21+$0x260];
	[tilespmem:s21+$0x270] =	vst v3  }
0xaa: {  	v11 =	vmul.f32 $3.200000000e+01, v6;
	v3 =	vld [tilespmem:s17+$0x270];
	[tilespmem:s21+$0x200] =	vst v4  }
0xab: {  	v4 =	vld [tilespmem:s17+$0x200];
	[tilespmem:s21+$0x210] =	vst v9;
	v9 =	vmul.f32 $3.200000000e+01, v8  }
0xac: {  	s0 =	simm.s32 $0x8;
	v6 =	vld [tilespmem:s17+$0x210];
	[tilespmem:s21+$0x220] =	vst v11;
	v8 =	vmul.f32 $3.200000000e+01, v10  }
.LBB2_2:
0xad: {  	s0 =	sadd.s32 $0x8, s0;
	v10 =	vld [tilespmem:s17+$0x220];
	[tilespmem:s21+$0x230] =	vst v9;
	v7 =	vmul.f32 $3.200000000e+01, v7  }
0xae: {  	s2 =	sadd.s32 $0x400, s2;
	s5 =	sshll.u32 s0, $0x4;
	p0 =	slt.u32 s0, $0x7F8;
	v9 =	vld [tilespmem:s17+$0x230];
	[tilespmem:s21+$0x240] =	vst v8;
	v5 =	vmul.f32 $3.200000000e+01, v5  }
0xaf: {  	s22 =	sand.u32 $0x1C00, s2;
	s29 =	sshll.u32 s0, $0x1;
	s5 =	sand.u32 $0x6000, s5;
	v8 =	vld [tilespmem:s17+$0x240];
	v3 =	vmul.f32 $3.200000000e+01, v3;
	[tilespmem:s21+$0x250] =	vst v7  }
.Ltmp0:
0xb0: {  	s29 =	sand.u32 $0x380, s29;
	s5 =	sor.u32 s22, s5;
	v4 =	vmul.f32 $3.200000000e+01, v4;
	v7 =	vld [tilespmem:s17+$0x250];
	[tilespmem:s21+$0x260] =	vst v5;
	(pc) =	sbr.rel @p0 .LBB2_2-.Ltmp0, $4  }
0xb1: {  	s21 =	smov.u32 s17;
	v6 =	vmul.f32 $3.200000000e+01, v6;
	v5 =	vld [tilespmem:s17+$0x260];
	[tilespmem:s17+$0x270] =	vst v3;
	s17 =	sor.u32 s5, s29  }
0xb2: {  	v3 =	vld [tilespmem:s17+$0x270];
	[tilespmem:s21+$0x200] =	vst v4;
	v10 =	vmul.f32 $3.200000000e+01, v10  }
0xb3: {  	v4 =	vld [tilespmem:s17+$0x200];
	[tilespmem:s21+$0x210] =	vst v6;
	v9 =	vmul.f32 $3.200000000e+01, v9  }
0xb4: {  	v6 =	vld [tilespmem:s17+$0x210];
	[tilespmem:s21+$0x220] =	vst v10;
	v8 =	vmul.f32 $3.200000000e+01, v8  }
0xb5: {  	v10 =	vld [tilespmem:s17+$0x220];
	[tilespmem:s21+$0x230] =	vst v9;
	v7 =	vmul.f32 $3.200000000e+01, v7  }
0xb6: {  	v9 =	vld [tilespmem:s17+$0x230];
	[tilespmem:s21+$0x240] =	vst v8;
	v5 =	vmul.f32 $3.200000000e+01, v5  }
0xb7: {  	v8 =	vld [tilespmem:s17+$0x240];
	v3 =	vmul.f32 $3.200000000e+01, v3;
	[tilespmem:s21+$0x250] =	vst v7  }
0xb8: {  	v7 =	vld [tilespmem:s17+$0x250];
	v4 =	vmul.f32 $3.200000000e+01, v4;
	[tilespmem:s21+$0x260] =	vst v5  }
0xb9: {  	v5 =	vmul.f32 $3.200000000e+01, v6;
	v6 =	vld [tilespmem:s17+$0x260];
	[tilespmem:s17+$0x270] =	vst v3  }
0xba: {  	[tilespmem:s17+$0x200] =	vst v4;
	v3 =	vmul.f32 $3.200000000e+01, v10  }
0xbb: {  	v4 =	vmul.f32 $3.200000000e+01, v9;
	[tilespmem:s17+$0x210] =	vst v5  }
0xbc: {  	[tilespmem:s17+$0x220] =	vst v3;
	v3 =	vmul.f32 $3.200000000e+01, v8  }
0xbd: {  	[tilespmem:s17+$0x230] =	vst v4;
	v4 =	vmul.f32 $3.200000000e+01, v7  }
0xbe: {  	[tilespmem:s17+$0x240] =	vst v3;
	v3 =	vmul.f32 $3.200000000e+01, v6  }
0xbf: {  	[tilespmem:s17+$0x250] =	vst v4  }
0xc0: {  	[tilespmem:s17+$0x260] =	vst v3  }
0xc1: {  	s0 =	simm.s32 $0x0;
	s2 =	rddreg [dreg:$0x6]  }
0xc2: {  	[hbm4b:s2+s0] =	stream.linear.scatter [tilespmem:s19], [sflag:$0x4], $0x8000, $0x38;
	[tilespmem:$0x18200] =	vst v63  }
0xc3: {  	_ =	swait.ge [sflag:s25], $0x8000  }
0xc4: {  	[sflag:s25] =	ssyncset.done $0x0  }
0xc5: {  	[sflag:s25] =	ssyncadd.s32 $0xFFFF8000  }
0xc6: {  	v3 =	vld [tilespmem:$0x60];
	_ =	sdelay $0x4  }
0xc7: {  	v4 =	vshll.u32 v3, $0x3  }
0xc8: {  	v3 =	vand.u32 $0x7, v3;
	v4 =	vand.u32 $0xFFFFFFC0, v4  }
0xc9: {  	v3 =	vor.u32 v3, v4  }
0xca: {  	v4 =	vperm.xlane v3, v0;
	_ =	sdelay $0x1  }
0xcb: {  	v4 =	vadd.s32 v1, v4;
	_ =	sdelay $0x4  }
0xcc: {  	[tilespmem:s19], [sflag:$0x1] =	stream.indirect_vreg.gather [hbm4b:s1+s0], $0x80, v4, vm0, $0xb8;
	[tilespmem:$0x18200] =	vst v63  }
0xcd: {  	s9 =	simm.s32 $0xA00;
	v3 =	vperm.xlane v3, v2  }
0xce: {  	[tilespmem:s9], [sflag:$0x1] =	stream.indirect_vreg.gather [hbm4b:s6+s0], $0x80, v4, vm0, $0xb8;
	[tilespmem:$0x18200] =	vst v63  }
0xcf: {  	s17 =	simm.s32 $0x1200;
	v3 =	vadd.s32 v1, v3  }
0xd0: {  	[tilespmem:s17], [sflag:$0x1] =	stream.indirect_vreg.gather [hbm4b:s7+s0], $0x80, v4, vm0, $0xb8;
	[tilespmem:$0x18200] =	vst v63  }
0xd1: {  	s21 =	simm.s32 $0x1A00  }
0xd2: {  	[tilespmem:s21], [sflag:$0x1] =	stream.indirect_vreg.gather [hbm4b:s8+s0], $0x80, v4, vm0, $0xb8;
	[tilespmem:$0x18200] =	vst v63  }
0xd3: {  	s22 =	simm.s32 $0x2200  }
0xd4: {  	[tilespmem:s22], [sflag:$0x1] =	stream.indirect_vreg.gather [hbm4b:s1+s0], $0x80, v3, vm0, $0xb8;
	[tilespmem:$0x18200] =	vst v63  }
0xd5: {  	s23 =	simm.s32 $0x2A00  }
0xd6: {  	[tilespmem:s23], [sflag:$0x1] =	stream.indirect_vreg.gather [hbm4b:s6+s0], $0x80, v3, vm0, $0xb8;
	[tilespmem:$0x18200] =	vst v63  }
0xd7: {  	s24 =	simm.s32 $0x3200  }
0xd8: {  	[tilespmem:s24], [sflag:$0x1] =	stream.indirect_vreg.gather [hbm4b:s7+s0], $0x80, v3, vm0, $0xb8;
	[tilespmem:$0x18200] =	vst v63  }
0xd9: {  	s29 =	simm.s32 $0x3A00  }
0xda: {  	[tilespmem:s29], [sflag:$0x1] =	stream.indirect_vreg.gather [hbm4b:s8+s0], $0x80, v3, vm0, $0xb8;
	[tilespmem:$0x18200] =	vst v63  }
0xdb: {  	v3 =	vld [tilespmem:$0x70];
	_ =	sdelay $0x4  }
0xdc: {  	v4 =	vshll.u32 v3, $0x3  }
0xdd: {  	v3 =	vand.u32 $0x7, v3;
	v4 =	vand.u32 $0xFFFFFFC0, v4  }
0xde: {  	v3 =	vor.u32 v3, v4  }
0xdf: {  	v4 =	vperm.xlane v3, v0;
	_ =	sdelay $0x1  }
0xe0: {  	v4 =	vadd.s32 v1, v4;
	_ =	sdelay $0x3  }
0xe1: {  	s30 =	simm.s32 $0x4200  }
0xe2: {  	[tilespmem:s30], [sflag:$0x1] =	stream.indirect_vreg.gather [hbm4b:s1+s0], $0x80, v4, vm0, $0xb8;
	[tilespmem:$0x18200] =	vst v63  }
0xe3: {  	s31 =	simm.s32 $0x4A00;
	v3 =	vperm.xlane v3, v2  }
0xe4: {  	[tilespmem:s31], [sflag:$0x1] =	stream.indirect_vreg.gather [hbm4b:s6+s0], $0x80, v4, vm0, $0xb8;
	[tilespmem:$0x18200] =	vst v63  }
0xe5: {  	s5 =	simm.s32 $0x5200;
	v3 =	vadd.s32 v1, v3  }
0xe6: {  	[tilespmem:s5], [sflag:$0x1] =	stream.indirect_vreg.gather [hbm4b:s7+s0], $0x80, v4, vm0, $0xb8;
	[tilespmem:$0x18200] =	vst v63  }
0xe7: {  	s9 =	simm.s32 $0x5A00  }
0xe8: {  	[tilespmem:s9], [sflag:$0x1] =	stream.indirect_vreg.gather [hbm4b:s8+s0], $0x80, v4, vm0, $0xb8;
	[tilespmem:$0x18200] =	vst v63  }
0xe9: {  	s17 =	simm.s32 $0x6200  }
0xea: {  	[tilespmem:s17], [sflag:$0x1] =	stream.indirect_vreg.gather [hbm4b:s1+s0], $0x80, v3, vm0, $0xb8;
	[tilespmem:$0x18200] =	vst v63  }
0xeb: {  	s21 =	simm.s32 $0x6A00  }
0xec: {  	[tilespmem:s21], [sflag:$0x1] =	stream.indirect_vreg.gather [hbm4b:s6+s0], $0x80, v3, vm0, $0xb8;
	[tilespmem:$0x18200] =	vst v63  }
0xed: {  	s22 =	simm.s32 $0x7200;
	s23 =	simm.s32 $0x0  }
0xee: {  	[tilespmem:s22], [sflag:$0x1] =	stream.indirect_vreg.gather [hbm4b:s7+s0], $0x80, v3, vm0, $0xb8;
	[tilespmem:$0x18200] =	vst v63  }
0xef: {  	s2 =	sand.u32 $0x6000, s23  }
0xf0: {  	[tilespmem:s12], [sflag:$0x1] =	stream.indirect_vreg.gather [hbm4b:s8+s0], $0x80, v3, vm0, $0xb8;
	[tilespmem:$0x18200] =	vst v63  }
0xf1: {  	s5 =	simm.s32 $0x0;
	s0 =	sand.u32 $0x1C00, s0;
	_ =	swait.ge [sflag:s20], $0x8000  }
0xf2: {  	s5 =	sand.u32 $0x380, s5;
	s0 =	sor.u32 s0, s2;
	[sflag:s20] =	ssyncset.done $0x0  }
0xf3: {  	s21 =	sor.u32 s0, s5;
	[sflag:s20] =	ssyncadd.s32 $0xFFFF8000  }
0xf4: {  	v3 =	vld [tilespmem:s21+$0x8270]  }
0xf5: {  	v4 =	vld [tilespmem:s21+$0x8200]  }
0xf6: {  	v5 =	vld [tilespmem:s21+$0x8210]  }
0xf7: {  	v6 =	vld [tilespmem:s21+$0x8220]  }
0xf8: {  	s24 =	simm.s32 $0x80;
	s2 =	simm.s32 $0x400;
	v8 =	vld [tilespmem:s21+$0x8230]  }
0xf9: {  	s30 =	simm.s32 $0x10;
	s0 =	sand.u32 $0x6000, s24;
	s29 =	sand.u32 $0x1C00, s2;
	v10 =	vld [tilespmem:s21+$0x8240];
	v3 =	vmul.f32 $3.200000000e+01, v3  }
0xfa: {  	s31 =	sand.u32 $0x380, s30;
	s0 =	sor.u32 s29, s0;
	v7 =	vld [tilespmem:s21+$0x8250];
	v4 =	vmul.f32 $3.200000000e+01, v4  }
0xfb: {  	s17 =	sor.u32 s0, s31;
	v9 =	vmul.f32 $3.200000000e+01, v5;
	v5 =	vld [tilespmem:s21+$0x8260];
	[tilespmem:s21+$0x8270] =	vst v3  }
0xfc: {  	v11 =	vmul.f32 $3.200000000e+01, v6;
	v3 =	vld [tilespmem:s17+$0x8270];
	[tilespmem:s21+$0x8200] =	vst v4  }
0xfd: {  	v4 =	vld [tilespmem:s17+$0x8200];
	[tilespmem:s21+$0x8210] =	vst v9;
	v9 =	vmul.f32 $3.200000000e+01, v8  }
0xfe: {  	s0 =	simm.s32 $0x8;
	v6 =	vld [tilespmem:s17+$0x8210];
	[tilespmem:s21+$0x8220] =	vst v11;
	v8 =	vmul.f32 $3.200000000e+01, v10  }
.LBB2_4:
0xff: {  	s0 =	sadd.s32 $0x8, s0;
	v10 =	vld [tilespmem:s17+$0x8220];
	[tilespmem:s21+$0x8230] =	vst v9;
	v7 =	vmul.f32 $3.200000000e+01, v7  }
0x100: {  	s2 =	sadd.s32 $0x400, s2;
	s5 =	sshll.u32 s0, $0x4;
	p0 =	slt.u32 s0, $0x7F8;
	v9 =	vld [tilespmem:s17+$0x8230];
	[tilespmem:s21+$0x8240] =	vst v8;
	v5 =	vmul.f32 $3.200000000e+01, v5  }
0x101: {  	s22 =	sand.u32 $0x1C00, s2;
	s29 =	sshll.u32 s0, $0x1;
	s5 =	sand.u32 $0x6000, s5;
	v8 =	vld [tilespmem:s17+$0x8240];
	v3 =	vmul.f32 $3.200000000e+01, v3;
	[tilespmem:s21+$0x8250] =	vst v7  }
.Ltmp1:
0x102: {  	s29 =	sand.u32 $0x380, s29;
	s5 =	sor.u32 s22, s5;
	v4 =	vmul.f32 $3.200000000e+01, v4;
	v7 =	vld [tilespmem:s17+$0x8250];
	[tilespmem:s21+$0x8260] =	vst v5;
	(pc) =	sbr.rel @p0 .LBB2_4-.Ltmp1, $4  }
0x103: {  	s21 =	smov.u32 s17;
	v6 =	vmul.f32 $3.200000000e+01, v6;
	v5 =	vld [tilespmem:s17+$0x8260];
	[tilespmem:s17+$0x8270] =	vst v3;
	s17 =	sor.u32 s5, s29  }
0x104: {  	v3 =	vld [tilespmem:s17+$0x8270];
	[tilespmem:s21+$0x8200] =	vst v4;
	v10 =	vmul.f32 $3.200000000e+01, v10  }
0x105: {  	v4 =	vld [tilespmem:s17+$0x8200];
	[tilespmem:s21+$0x8210] =	vst v6;
	v9 =	vmul.f32 $3.200000000e+01, v9  }
0x106: {  	v6 =	vld [tilespmem:s17+$0x8210];
	[tilespmem:s21+$0x8220] =	vst v10;
	v8 =	vmul.f32 $3.200000000e+01, v8  }
0x107: {  	v10 =	vld [tilespmem:s17+$0x8220];
	[tilespmem:s21+$0x8230] =	vst v9;
	v7 =	vmul.f32 $3.200000000e+01, v7  }
0x108: {  	v57 =	vld [tilespmem:s17+$0x8230];
	[tilespmem:s21+$0x8240] =	vst v8;
	v5 =	vmul.f32 $3.200000000e+01, v5  }
0x109: {  	v58 =	vld [tilespmem:s17+$0x8240];
	v3 =	vmul.f32 $3.200000000e+01, v3;
	[tilespmem:s21+$0x8250] =	vst v7  }
0x10a: {  	v59 =	vld [tilespmem:s17+$0x8250];
	v4 =	vmul.f32 $3.200000000e+01, v4;
	[tilespmem:s21+$0x8260] =	vst v5  }
0x10b: {  	v61 =	vld [tilespmem:s17+$0x8260];
	v60 =	vmul.f32 $3.200000000e+01, v6;
	[tilespmem:s17+$0x8270] =	vst v3  }
0x10c: {  	[tilespmem:s17+$0x8200] =	vst v4;
	v3 =	vmul.f32 $3.200000000e+01, v10  }
0x10d: {  	v62 =	vmul.f32 $3.200000000e+01, v57;
	[tilespmem:s17+$0x8210] =	vst v60  }
0x10e: {  	[tilespmem:s17+$0x8220] =	vst v3;
	v3 =	vmul.f32 $3.200000000e+01, v58  }
0x10f: {  	v63 =	vmul.f32 $3.200000000e+01, v59;
	[tilespmem:s17+$0x8230] =	vst v62  }
0x110: {  	[tilespmem:s17+$0x8240] =	vst v3;
	v3 =	vmul.f32 $3.200000000e+01, v61  }
0x111: {  	[tilespmem:s17+$0x8250] =	vst v63  }
0x112: {  	[tilespmem:s17+$0x8260] =	vst v3  }
0x113: {  	s29 =	simm.s32 $0x0;
	s21 =	simm.s32 $0x0;
	s0 =	rddreg [dreg:$0x7]  }
0x114: {  	[hbm4b:s0+s21] =	stream.linear.scatter [tilespmem:s15], [sflag:$0x5], $0x8000, $0x38;
	[tilespmem:$0x18200] =	vst v63  }
.LBB2_6:
0x115: {  	_ =	swait.ge [sflag:s26], $0x8000  }
0x116: {  	s30 =	smul.u32 $0x60, s29;
	[sflag:s26] =	ssyncset.done $0x0  }
0x117: {  	[sflag:s26] =	ssyncadd.s32 $0xFFFF8000  }
0x118: {  	v3 =	vld [tilespmem:s30+$0x80];
	_ =	sdelay $0x4  }
0x119: {  	v4 =	vshll.u32 v3, $0x3  }
0x11a: {  	v3 =	vand.u32 $0x7, v3;
	v4 =	vand.u32 $0xFFFFFFC0, v4  }
0x11b: {  	v3 =	vor.u32 v3, v4  }
0x11c: {  	v4 =	vperm.xlane v3, v0;
	_ =	sdelay $0x1  }
0x11d: {  	v4 =	vadd.s32 v1, v4;
	_ =	sdelay $0x4  }
0x11e: {  	[tilespmem:s15], [sflag:$0x2] =	stream.indirect_vreg.gather [hbm4b:s1+s21], $0x80, v4, vm0, $0xb8;
	[tilespmem:$0x18200] =	vst v63  }
0x11f: {  	s0 =	simm.s32 $0x8A00;
	v3 =	vperm.xlane v3, v2  }
0x120: {  	[tilespmem:s0], [sflag:$0x2] =	stream.indirect_vreg.gather [hbm4b:s6+s21], $0x80, v4, vm0, $0xb8;
	[tilespmem:$0x18200] =	vst v63  }
0x121: {  	s23 =	simm.s32 $0x9200;
	v3 =	vadd.s32 v1, v3  }
0x122: {  	[tilespmem:s23], [sflag:$0x2] =	stream.indirect_vreg.gather [hbm4b:s7+s21], $0x80, v4, vm0, $0xb8;
	[tilespmem:$0x18200] =	vst v63  }
0x123: {  	s24 =	simm.s32 $0x9A00  }
0x124: {  	[tilespmem:s24], [sflag:$0x2] =	stream.indirect_vreg.gather [hbm4b:s8+s21], $0x80, v4, vm0, $0xb8;
	[tilespmem:$0x18200] =	vst v63  }
0x125: {  	s2 =	simm.s32 $0xA200  }
0x126: {  	[tilespmem:s2], [sflag:$0x2] =	stream.indirect_vreg.gather [hbm4b:s1+s21], $0x80, v3, vm0, $0xb8;
	[tilespmem:$0x18200] =	vst v63  }
0x127: {  	s5 =	simm.s32 $0xAA00  }
0x128: {  	[tilespmem:s5], [sflag:$0x2] =	stream.indirect_vreg.gather [hbm4b:s6+s21], $0x80, v3, vm0, $0xb8;
	[tilespmem:$0x18200] =	vst v63  }
0x129: {  	s9 =	simm.s32 $0xB200  }
0x12a: {  	[tilespmem:s9], [sflag:$0x2] =	stream.indirect_vreg.gather [hbm4b:s7+s21], $0x80, v3, vm0, $0xb8;
	[tilespmem:$0x18200] =	vst v63  }
0x12b: {  	s17 =	simm.s32 $0xBA00  }
0x12c: {  	[tilespmem:s17], [sflag:$0x2] =	stream.indirect_vreg.gather [hbm4b:s8+s21], $0x80, v3, vm0, $0xb8;
	[tilespmem:$0x18200] =	vst v63  }
0x12d: {  	v3 =	vld [tilespmem:s30+$0x90];
	_ =	sdelay $0x4  }
0x12e: {  	v4 =	vshll.u32 v3, $0x3  }
0x12f: {  	v3 =	vand.u32 $0x7, v3;
	v4 =	vand.u32 $0xFFFFFFC0, v4  }
0x130: {  	v3 =	vor.u32 v3, v4  }
0x131: {  	v4 =	vperm.xlane v3, v0;
	_ =	sdelay $0x1  }
0x132: {  	v4 =	vadd.s32 v1, v4;
	_ =	sdelay $0x3  }
0x133: {  	s22 =	simm.s32 $0xC200  }
0x134: {  	[tilespmem:s22], [sflag:$0x2] =	stream.indirect_vreg.gather [hbm4b:s1+s21], $0x80, v4, vm0, $0xb8;
	[tilespmem:$0x18200] =	vst v63  }
0x135: {  	s23 =	simm.s32 $0xCA00;
	v3 =	vperm.xlane v3, v2  }
0x136: {  	[tilespmem:s23], [sflag:$0x2] =	stream.indirect_vreg.gather [hbm4b:s6+s21], $0x80, v4, vm0, $0xb8;
	[tilespmem:$0x18200] =	vst v63  }
0x137: {  	s24 =	simm.s32 $0xD200;
	v3 =	vadd.s32 v1, v3  }
0x138: {  	[tilespmem:s24], [sflag:$0x2] =	stream.indirect_vreg.gather [hbm4b:s7+s21], $0x80, v4, vm0, $0xb8;
	[tilespmem:$0x18200] =	vst v63  }
0x139: {  	s2 =	simm.s32 $0xDA00  }
0x13a: {  	[tilespmem:s2], [sflag:$0x2] =	stream.indirect_vreg.gather [hbm4b:s8+s21], $0x80, v4, vm0, $0xb8;
	[tilespmem:$0x18200] =	vst v63  }
0x13b: {  	s5 =	simm.s32 $0xE200  }
0x13c: {  	[tilespmem:s5], [sflag:$0x2] =	stream.indirect_vreg.gather [hbm4b:s1+s21], $0x80, v3, vm0, $0xb8;
	[tilespmem:$0x18200] =	vst v63  }
0x13d: {  	s9 =	simm.s32 $0xEA00  }
0x13e: {  	[tilespmem:s9], [sflag:$0x2] =	stream.indirect_vreg.gather [hbm4b:s6+s21], $0x80, v3, vm0, $0xb8;
	[tilespmem:$0x18200] =	vst v63  }
0x13f: {  	s17 =	simm.s32 $0xF200;
	s23 =	simm.s32 $0x0  }
0x140: {  	[tilespmem:s17], [sflag:$0x2] =	stream.indirect_vreg.gather [hbm4b:s7+s21], $0x80, v3, vm0, $0xb8;
	[tilespmem:$0x18200] =	vst v63  }
0x141: {  	s22 =	simm.s32 $0xFA00;
	s0 =	sand.u32 $0x6000, s23  }
0x142: {  	[tilespmem:s22], [sflag:$0x2] =	stream.indirect_vreg.gather [hbm4b:s8+s21], $0x80, v3, vm0, $0xb8;
	[tilespmem:$0x18200] =	vst v63  }
0x143: {  	s2 =	sand.u32 $0x1C00, s21;
	s5 =	simm.s32 $0x0;
	_ =	swait.ge [sflag:s18], $0x8000  }
0x144: {  	s0 =	sor.u32 s2, s0;
	s5 =	sand.u32 $0x380, s5;
	[sflag:s18] =	ssyncset.done $0x0  }
0x145: {  	s0 =	sor.u32 s0, s5;
	[sflag:s18] =	ssyncadd.s32 $0xFFFF8000  }
0x146: {  	s22 =	sadd.s32 $0x10200, s0;
	v3 =	vld [tilespmem:s0+$0x10200]  }
0x147: {  	v4 =	vld [tilespmem:s22+$0x70]  }
0x148: {  	v6 =	vld [tilespmem:s22+$0x10]  }
0x149: {  	v8 =	vld [tilespmem:s22+$0x20]  }
0x14a: {  	s24 =	simm.s32 $0x80;
	s2 =	simm.s32 $0x400;
	v9 =	vld [tilespmem:s22+$0x30]  }
0x14b: {  	s31 =	simm.s32 $0x10;
	s5 =	sand.u32 $0x6000, s24;
	s17 =	sand.u32 $0x1C00, s2;
	v10 =	vld [tilespmem:s22+$0x40];
	v3 =	vmul.f32 $3.200000000e+01, v3  }
0x14c: {  	s31 =	sand.u32 $0x380, s31;
	s5 =	sor.u32 s17, s5;
	v5 =	vld [tilespmem:s22+$0x50];
	v4 =	vmul.f32 $3.200000000e+01, v4  }
0x14d: {  	s5 =	sor.u32 s5, s31;
	v11 =	vmul.f32 $3.200000000e+01, v6;
	v6 =	vld [tilespmem:s22+$0x60];
	[tilespmem:s0+$0x10200] =	vst v3  }
0x14e: {  	s31 =	sadd.s32 $0x10200, s5;
	v7 =	vld [tilespmem:s5+$0x10200];
	v8 =	vmul.f32 $3.200000000e+01, v8;
	[tilespmem:s22+$0x70] =	vst v4  }
0x14f: {  	v9 =	vmul.f32 $3.200000000e+01, v9;
	v3 =	vld [tilespmem:s31+$0x70];
	[tilespmem:s22+$0x10] =	vst v11  }
0x150: {  	s17 =	sadd.s32 $0x80, s30;
	s0 =	simm.s32 $0x8;
	v4 =	vld [tilespmem:s31+$0x10];
	[tilespmem:s22+$0x20] =	vst v8;
	v8 =	vmul.f32 $3.200000000e+01, v10  }
.LBB2_7:
0x151: {  	s0 =	sadd.s32 $0x8, s0;
	v10 =	vld [tilespmem:s31+$0x20];
	[tilespmem:s22+$0x30] =	vst v9;
	v5 =	vmul.f32 $3.200000000e+01, v5  }
0x152: {  	s2 =	sadd.s32 $0x400, s2;
	s23 =	sshll.u32 s0, $0x4;
	p0 =	slt.u32 s0, $0x7F8;
	v9 =	vld [tilespmem:s31+$0x30];
	[tilespmem:s22+$0x40] =	vst v8;
	v6 =	vmul.f32 $3.200000000e+01, v6  }
0x153: {  	s9 =	sand.u32 $0x1C00, s2;
	s24 =	sshll.u32 s0, $0x1;
	s23 =	sand.u32 $0x6000, s23;
	v7 =	vmul.f32 $3.200000000e+01, v7;
	v8 =	vld [tilespmem:s31+$0x40];
	[tilespmem:s22+$0x50] =	vst v5  }
.Ltmp2:
0x154: {  	s24 =	sand.u32 $0x380, s24;
	s9 =	sor.u32 s9, s23;
	v5 =	vld [tilespmem:s31+$0x50];
	v3 =	vmul.f32 $3.200000000e+01, v3;
	[tilespmem:s22+$0x60] =	vst v6;
	(pc) =	sbr.rel @p0 .LBB2_7-.Ltmp2, $4  }
0x155: {  	s22 =	smov.u32 s31;
	[tilespmem:s5+$0x10200] =	vst v7;
	s5 =	sor.u32 s9, s24;
	v4 =	vmul.f32 $3.200000000e+01, v4;
	v6 =	vld [tilespmem:s31+$0x60]  }
0x156: {  	s31 =	sadd.s32 $0x10200, s5;
	v7 =	vld [tilespmem:s5+$0x10200];
	v10 =	vmul.f32 $3.200000000e+01, v10;
	[tilespmem:s22+$0x70] =	vst v3  }
0x157: {  	v3 =	vld [tilespmem:s31+$0x70];
	[tilespmem:s22+$0x10] =	vst v4;
	v9 =	vmul.f32 $3.200000000e+01, v9  }
0x158: {  	v4 =	vld [tilespmem:s31+$0x10];
	[tilespmem:s22+$0x20] =	vst v10;
	v8 =	vmul.f32 $3.200000000e+01, v8  }
0x159: {  	v10 =	vld [tilespmem:s31+$0x20];
	[tilespmem:s22+$0x30] =	vst v9;
	v5 =	vmul.f32 $3.200000000e+01, v5  }
0x15a: {  	v9 =	vld [tilespmem:s31+$0x30];
	[tilespmem:s22+$0x40] =	vst v8;
	v6 =	vmul.f32 $3.200000000e+01, v6  }
0x15b: {  	v8 =	vld [tilespmem:s31+$0x40];
	v7 =	vmul.f32 $3.200000000e+01, v7;
	[tilespmem:s22+$0x50] =	vst v5  }
0x15c: {  	v5 =	vld [tilespmem:s31+$0x50];
	v3 =	vmul.f32 $3.200000000e+01, v3;
	[tilespmem:s22+$0x60] =	vst v6  }
0x15d: {  	v6 =	vld [tilespmem:s31+$0x60];
	[tilespmem:s5+$0x10200] =	vst v7;
	v4 =	vmul.f32 $3.200000000e+01, v4  }
0x15e: {  	v7 =	vmul.f32 $3.200000000e+01, v10;
	[tilespmem:s31+$0x70] =	vst v3  }
0x15f: {  	v3 =	vmul.f32 $3.200000000e+01, v9;
	[tilespmem:s31+$0x10] =	vst v4  }
0x160: {  	v4 =	vmul.f32 $3.200000000e+01, v8;
	[tilespmem:s31+$0x20] =	vst v7  }
0x161: {  	[tilespmem:s31+$0x30] =	vst v3;
	v3 =	vmul.f32 $3.200000000e+01, v5  }
0x162: {  	s0 =	sadd.s32 s30, s13;
	[tilespmem:s31+$0x40] =	vst v4;
	v4 =	vmul.f32 $3.200000000e+01, v6  }
0x163: {  	s0 =	sshll.u32 s0, $0x7;
	[tilespmem:s31+$0x50] =	vst v3  }
0x164: {  	s2 =	simm.s32 $0x0;
	s0 =	sadd.s32 s3, s0;
	[tilespmem:s31+$0x60] =	vst v4  }
0x165: {  	[hbm4b:s0+s2] =	stream.linear.scatter [tilespmem:s16], [sflag:$0x6], $0x8000, $0x38;
	[tilespmem:$0x18200] =	vst v63  }
0x166: {  	s5 =	smul.u32 $0x180, s29;
	_ =	swait.ge [sflag:s28], $0x8000  }
0x167: {  	[sflag:s28] =	ssyncset.done $0x0  }
0x168: {  	s22 =	sshra.s32 s5, $0x2;
	[sflag:s28] =	ssyncadd.s32 $0xFFFF8000  }
0x169: {  	v3 =	vld [tilespmem:s22+$0xA0];
	_ =	sdelay $0x4  }
0x16a: {  	v4 =	vshll.u32 v3, $0x3  }
0x16b: {  	v3 =	vand.u32 $0x7, v3;
	v4 =	vand.u32 $0xFFFFFFC0, v4  }
0x16c: {  	v3 =	vor.u32 v3, v4  }
0x16d: {  	v4 =	vperm.xlane v3, v0;
	_ =	sdelay $0x1  }
0x16e: {  	v4 =	vadd.s32 v1, v4;
	_ =	sdelay $0x4  }
0x16f: {  	[tilespmem:s16], [sflag:$0x3] =	stream.indirect_vreg.gather [hbm4b:s1+s2], $0x80, v4, vm0, $0xb8;
	[tilespmem:$0x18200] =	vst v63  }
0x170: {  	s9 =	simm.s32 $0x10A00;
	v3 =	vperm.xlane v3, v2  }
0x171: {  	[tilespmem:s9], [sflag:$0x3] =	stream.indirect_vreg.gather [hbm4b:s6+s2], $0x80, v4, vm0, $0xb8;
	[tilespmem:$0x18200] =	vst v63  }
0x172: {  	s23 =	simm.s32 $0x11200;
	v3 =	vadd.s32 v1, v3  }
0x173: {  	[tilespmem:s23], [sflag:$0x3] =	stream.indirect_vreg.gather [hbm4b:s7+s2], $0x80, v4, vm0, $0xb8;
	[tilespmem:$0x18200] =	vst v63  }
0x174: {  	s24 =	simm.s32 $0x11A00  }
0x175: {  	[tilespmem:s24], [sflag:$0x3] =	stream.indirect_vreg.gather [hbm4b:s8+s2], $0x80, v4, vm0, $0xb8;
	[tilespmem:$0x18200] =	vst v63  }
0x176: {  	s5 =	simm.s32 $0x12200  }
0x177: {  	[tilespmem:s5], [sflag:$0x3] =	stream.indirect_vreg.gather [hbm4b:s1+s2], $0x80, v3, vm0, $0xb8;
	[tilespmem:$0x18200] =	vst v63  }
0x178: {  	s9 =	simm.s32 $0x12A00  }
0x179: {  	[tilespmem:s9], [sflag:$0x3] =	stream.indirect_vreg.gather [hbm4b:s6+s2], $0x80, v3, vm0, $0xb8;
	[tilespmem:$0x18200] =	vst v63  }
0x17a: {  	s23 =	simm.s32 $0x13200  }
0x17b: {  	[tilespmem:s23], [sflag:$0x3] =	stream.indirect_vreg.gather [hbm4b:s7+s2], $0x80, v3, vm0, $0xb8;
	[tilespmem:$0x18200] =	vst v63  }
0x17c: {  	s24 =	simm.s32 $0x13A00  }
0x17d: {  	[tilespmem:s24], [sflag:$0x3] =	stream.indirect_vreg.gather [hbm4b:s8+s2], $0x80, v3, vm0, $0xb8;
	[tilespmem:$0x18200] =	vst v63  }
0x17e: {  	v3 =	vld [tilespmem:s22+$0xB0];
	_ =	sdelay $0x4  }
0x17f: {  	v4 =	vshll.u32 v3, $0x3  }
0x180: {  	v3 =	vand.u32 $0x7, v3;
	v4 =	vand.u32 $0xFFFFFFC0, v4  }
0x181: {  	v3 =	vor.u32 v3, v4  }
0x182: {  	v4 =	vperm.xlane v3, v0;
	_ =	sdelay $0x1  }
0x183: {  	v4 =	vadd.s32 v1, v4;
	_ =	sdelay $0x3  }
0x184: {  	s5 =	simm.s32 $0x14200  }
0x185: {  	[tilespmem:s5], [sflag:$0x3] =	stream.indirect_vreg.gather [hbm4b:s1+s2], $0x80, v4, vm0, $0xb8;
	[tilespmem:$0x18200] =	vst v63  }
0x186: {  	s9 =	simm.s32 $0x14A00;
	v3 =	vperm.xlane v3, v2  }
0x187: {  	[tilespmem:s9], [sflag:$0x3] =	stream.indirect_vreg.gather [hbm4b:s6+s2], $0x80, v4, vm0, $0xb8;
	[tilespmem:$0x18200] =	vst v63  }
0x188: {  	s23 =	simm.s32 $0x15200;
	v3 =	vadd.s32 v1, v3  }
0x189: {  	[tilespmem:s23], [sflag:$0x3] =	stream.indirect_vreg.gather [hbm4b:s7+s2], $0x80, v4, vm0, $0xb8;
	[tilespmem:$0x18200] =	vst v63  }
0x18a: {  	s24 =	simm.s32 $0x15A00  }
0x18b: {  	[tilespmem:s24], [sflag:$0x3] =	stream.indirect_vreg.gather [hbm4b:s8+s2], $0x80, v4, vm0, $0xb8;
	[tilespmem:$0x18200] =	vst v63  }
0x18c: {  	s5 =	simm.s32 $0x16200  }
0x18d: {  	[tilespmem:s5], [sflag:$0x3] =	stream.indirect_vreg.gather [hbm4b:s1+s2], $0x80, v3, vm0, $0xb8;
	[tilespmem:$0x18200] =	vst v63  }
0x18e: {  	s9 =	simm.s32 $0x16A00  }
0x18f: {  	[tilespmem:s9], [sflag:$0x3] =	stream.indirect_vreg.gather [hbm4b:s6+s2], $0x80, v3, vm0, $0xb8;
	[tilespmem:$0x18200] =	vst v63  }
0x190: {  	s23 =	simm.s32 $0x17200;
	s5 =	simm.s32 $0x0  }
0x191: {  	[tilespmem:s23], [sflag:$0x3] =	stream.indirect_vreg.gather [hbm4b:s7+s2], $0x80, v3, vm0, $0xb8;
	[tilespmem:$0x18200] =	vst v63  }
0x192: {  	s24 =	simm.s32 $0x17A00;
	s0 =	sand.u32 $0x6000, s5  }
0x193: {  	[tilespmem:s24], [sflag:$0x3] =	stream.indirect_vreg.gather [hbm4b:s8+s2], $0x80, v3, vm0, $0xb8;
	[tilespmem:$0x18200] =	vst v63  }
0x194: {  	s9 =	simm.s32 $0x0;
	s2 =	sand.u32 $0x1C00, s2;
	_ =	swait.ge [sflag:s11], $0x8000  }
0x195: {  	s5 =	sand.u32 $0x380, s9;
	s0 =	sor.u32 s2, s0;
	[sflag:s11] =	ssyncset.done $0x0  }
0x196: {  	s5 =	sor.u32 s0, s5;
	[sflag:s11] =	ssyncadd.s32 $0xFFFF8000  }
0x197: {  	v3 =	vld [tilespmem:s5+$0x270]  }
0x198: {  	v4 =	vld [tilespmem:s5+$0x200]  }
0x199: {  	v5 =	vld [tilespmem:s5+$0x210]  }
0x19a: {  	v6 =	vld [tilespmem:s5+$0x220]  }
0x19b: {  	s23 =	simm.s32 $0x80;
	s2 =	simm.s32 $0x400;
	v8 =	vld [tilespmem:s5+$0x230]  }
0x19c: {  	s0 =	sand.u32 $0x6000, s23;
	s9 =	sand.u32 $0x1C00, s2;
	s23 =	simm.s32 $0x10;
	v10 =	vld [tilespmem:s5+$0x240];
	v3 =	vmul.f32 $3.200000000e+01, v3  }
0x19d: {  	s0 =	sor.u32 s9, s0;
	s24 =	sand.u32 $0x380, s23;
	v7 =	vld [tilespmem:s5+$0x250];
	v4 =	vmul.f32 $3.200000000e+01, v4  }
0x19e: {  	s31 =	sor.u32 s0, s24;
	v9 =	vmul.f32 $3.200000000e+01, v5;
	v5 =	vld [tilespmem:s5+$0x260];
	[tilespmem:s5+$0x270] =	vst v3  }
0x19f: {  	v11 =	vmul.f32 $3.200000000e+01, v6;
	v3 =	vld [tilespmem:s31+$0x270];
	[tilespmem:s5+$0x200] =	vst v4  }
0x1a0: {  	v4 =	vld [tilespmem:s31+$0x200];
	[tilespmem:s5+$0x210] =	vst v9;
	v9 =	vmul.f32 $3.200000000e+01, v8  }
0x1a1: {  	s0 =	simm.s32 $0x8;
	v6 =	vld [tilespmem:s31+$0x210];
	[tilespmem:s5+$0x220] =	vst v11;
	v8 =	vmul.f32 $3.200000000e+01, v10  }
.LBB2_9:
0x1a2: {  	s0 =	sadd.s32 $0x8, s0;
	v10 =	vld [tilespmem:s31+$0x220];
	[tilespmem:s5+$0x230] =	vst v9;
	v7 =	vmul.f32 $3.200000000e+01, v7  }
0x1a3: {  	s2 =	sadd.s32 $0x400, s2;
	s9 =	sshll.u32 s0, $0x4;
	p0 =	slt.u32 s0, $0x7F8;
	v9 =	vld [tilespmem:s31+$0x230];
	[tilespmem:s5+$0x240] =	vst v8;
	v5 =	vmul.f32 $3.200000000e+01, v5  }
0x1a4: {  	s23 =	sand.u32 $0x1C00, s2;
	s24 =	sshll.u32 s0, $0x1;
	s9 =	sand.u32 $0x6000, s9;
	v8 =	vld [tilespmem:s31+$0x240];
	v3 =	vmul.f32 $3.200000000e+01, v3;
	[tilespmem:s5+$0x250] =	vst v7  }
.Ltmp3:
0x1a5: {  	s24 =	sand.u32 $0x380, s24;
	s9 =	sor.u32 s23, s9;
	v4 =	vmul.f32 $3.200000000e+01, v4;
	v7 =	vld [tilespmem:s31+$0x250];
	[tilespmem:s5+$0x260] =	vst v5;
	(pc) =	sbr.rel @p0 .LBB2_9-.Ltmp3, $4  }
0x1a6: {  	s5 =	smov.u32 s31;
	v6 =	vmul.f32 $3.200000000e+01, v6;
	v5 =	vld [tilespmem:s31+$0x260];
	[tilespmem:s31+$0x270] =	vst v3;
	s31 =	sor.u32 s9, s24  }
0x1a7: {  	v3 =	vld [tilespmem:s31+$0x270];
	[tilespmem:s5+$0x200] =	vst v4;
	v10 =	vmul.f32 $3.200000000e+01, v10  }
0x1a8: {  	v4 =	vld [tilespmem:s31+$0x200];
	[tilespmem:s5+$0x210] =	vst v6;
	v9 =	vmul.f32 $3.200000000e+01, v9  }
0x1a9: {  	v6 =	vld [tilespmem:s31+$0x210];
	[tilespmem:s5+$0x220] =	vst v10;
	v8 =	vmul.f32 $3.200000000e+01, v8  }
0x1aa: {  	v10 =	vld [tilespmem:s31+$0x220];
	[tilespmem:s5+$0x230] =	vst v9;
	v7 =	vmul.f32 $3.200000000e+01, v7  }
0x1ab: {  	v9 =	vld [tilespmem:s31+$0x230];
	[tilespmem:s5+$0x240] =	vst v8;
	v5 =	vmul.f32 $3.200000000e+01, v5  }
0x1ac: {  	v8 =	vld [tilespmem:s31+$0x240];
	v3 =	vmul.f32 $3.200000000e+01, v3;
	[tilespmem:s5+$0x250] =	vst v7  }
0x1ad: {  	v7 =	vld [tilespmem:s31+$0x250];
	v4 =	vmul.f32 $3.200000000e+01, v4;
	[tilespmem:s5+$0x260] =	vst v5  }
0x1ae: {  	v5 =	vmul.f32 $3.200000000e+01, v6;
	v6 =	vld [tilespmem:s31+$0x260];
	[tilespmem:s31+$0x270] =	vst v3  }
0x1af: {  	[tilespmem:s31+$0x200] =	vst v4;
	v3 =	vmul.f32 $3.200000000e+01, v10  }
0x1b0: {  	v4 =	vmul.f32 $3.200000000e+01, v9;
	[tilespmem:s31+$0x210] =	vst v5  }
0x1b1: {  	[tilespmem:s31+$0x220] =	vst v3;
	v3 =	vmul.f32 $3.200000000e+01, v8  }
0x1b2: {  	[tilespmem:s31+$0x230] =	vst v4;
	v4 =	vmul.f32 $3.200000000e+01, v7  }
0x1b3: {  	s0 =	sadd.s32 s30, s14;
	[tilespmem:s31+$0x240] =	vst v3;
	v3 =	vmul.f32 $3.200000000e+01, v6  }
0x1b4: {  	s0 =	sshll.u32 s0, $0x7;
	[tilespmem:s31+$0x250] =	vst v4  }
0x1b5: {  	s2 =	simm.s32 $0x0;
	s0 =	sadd.s32 s3, s0;
	[tilespmem:s31+$0x260] =	vst v3  }
0x1b6: {  	[hbm4b:s0+s2] =	stream.linear.scatter [tilespmem:s19], [sflag:$0x4], $0x8000, $0x38;
	[tilespmem:$0x18200] =	vst v63  }
0x1b7: {  	_ =	swait.ge [sflag:s25], $0x8000  }
0x1b8: {  	[sflag:s25] =	ssyncset.done $0x0  }
0x1b9: {  	[sflag:s25] =	ssyncadd.s32 $0xFFFF8000  }
0x1ba: {  	v3 =	vld [tilespmem:s22+$0xC0];
	_ =	sdelay $0x4  }
0x1bb: {  	v4 =	vshll.u32 v3, $0x3  }
0x1bc: {  	v3 =	vand.u32 $0x7, v3;
	v4 =	vand.u32 $0xFFFFFFC0, v4  }
0x1bd: {  	v3 =	vor.u32 v3, v4  }
0x1be: {  	v4 =	vperm.xlane v3, v0;
	_ =	sdelay $0x1  }
0x1bf: {  	v4 =	vadd.s32 v1, v4;
	_ =	sdelay $0x4  }
0x1c0: {  	[tilespmem:s19], [sflag:$0x1] =	stream.indirect_vreg.gather [hbm4b:s1+s2], $0x80, v4, vm0, $0xb8;
	[tilespmem:$0x18200] =	vst v63  }
0x1c1: {  	s9 =	simm.s32 $0xA00;
	v3 =	vperm.xlane v3, v2  }
0x1c2: {  	[tilespmem:s9], [sflag:$0x1] =	stream.indirect_vreg.gather [hbm4b:s6+s2], $0x80, v4, vm0, $0xb8;
	[tilespmem:$0x18200] =	vst v63  }
0x1c3: {  	s23 =	simm.s32 $0x1200;
	v3 =	vadd.s32 v1, v3  }
0x1c4: {  	[tilespmem:s23], [sflag:$0x1] =	stream.indirect_vreg.gather [hbm4b:s7+s2], $0x80, v4, vm0, $0xb8;
	[tilespmem:$0x18200] =	vst v63  }
0x1c5: {  	s24 =	simm.s32 $0x1A00  }
0x1c6: {  	[tilespmem:s24], [sflag:$0x1] =	stream.indirect_vreg.gather [hbm4b:s8+s2], $0x80, v4, vm0, $0xb8;
	[tilespmem:$0x18200] =	vst v63  }
0x1c7: {  	s30 =	simm.s32 $0x2200  }
0x1c8: {  	[tilespmem:s30], [sflag:$0x1] =	stream.indirect_vreg.gather [hbm4b:s1+s2], $0x80, v3, vm0, $0xb8;
	[tilespmem:$0x18200] =	vst v63  }
0x1c9: {  	s31 =	simm.s32 $0x2A00  }
0x1ca: {  	[tilespmem:s31], [sflag:$0x1] =	stream.indirect_vreg.gather [hbm4b:s6+s2], $0x80, v3, vm0, $0xb8;
	[tilespmem:$0x18200] =	vst v63  }
0x1cb: {  	s5 =	simm.s32 $0x3200  }
0x1cc: {  	[tilespmem:s5], [sflag:$0x1] =	stream.indirect_vreg.gather [hbm4b:s7+s2], $0x80, v3, vm0, $0xb8;
	[tilespmem:$0x18200] =	vst v63  }
0x1cd: {  	s9 =	simm.s32 $0x3A00  }
0x1ce: {  	[tilespmem:s9], [sflag:$0x1] =	stream.indirect_vreg.gather [hbm4b:s8+s2], $0x80, v3, vm0, $0xb8;
	[tilespmem:$0x18200] =	vst v63  }
0x1cf: {  	v3 =	vld [tilespmem:s22+$0xD0];
	_ =	sdelay $0x4  }
0x1d0: {  	v4 =	vshll.u32 v3, $0x3  }
0x1d1: {  	v3 =	vand.u32 $0x7, v3;
	v4 =	vand.u32 $0xFFFFFFC0, v4  }
0x1d2: {  	v3 =	vor.u32 v3, v4  }
0x1d3: {  	v4 =	vperm.xlane v3, v0;
	_ =	sdelay $0x1  }
0x1d4: {  	v4 =	vadd.s32 v1, v4;
	_ =	sdelay $0x3  }
0x1d5: {  	s22 =	simm.s32 $0x4200  }
0x1d6: {  	[tilespmem:s22], [sflag:$0x1] =	stream.indirect_vreg.gather [hbm4b:s1+s2], $0x80, v4, vm0, $0xb8;
	[tilespmem:$0x18200] =	vst v63  }
0x1d7: {  	s23 =	simm.s32 $0x4A00;
	v3 =	vperm.xlane v3, v2  }
0x1d8: {  	[tilespmem:s23], [sflag:$0x1] =	stream.indirect_vreg.gather [hbm4b:s6+s2], $0x80, v4, vm0, $0xb8;
	[tilespmem:$0x18200] =	vst v63  }
0x1d9: {  	s24 =	simm.s32 $0x5200;
	v3 =	vadd.s32 v1, v3  }
0x1da: {  	[tilespmem:s24], [sflag:$0x1] =	stream.indirect_vreg.gather [hbm4b:s7+s2], $0x80, v4, vm0, $0xb8;
	[tilespmem:$0x18200] =	vst v63  }
0x1db: {  	s30 =	simm.s32 $0x5A00  }
0x1dc: {  	[tilespmem:s30], [sflag:$0x1] =	stream.indirect_vreg.gather [hbm4b:s8+s2], $0x80, v4, vm0, $0xb8;
	[tilespmem:$0x18200] =	vst v63  }
0x1dd: {  	s31 =	simm.s32 $0x6200  }
0x1de: {  	[tilespmem:s31], [sflag:$0x1] =	stream.indirect_vreg.gather [hbm4b:s1+s2], $0x80, v3, vm0, $0xb8;
	[tilespmem:$0x18200] =	vst v63  }
0x1df: {  	s5 =	simm.s32 $0x6A00  }
0x1e0: {  	[tilespmem:s5], [sflag:$0x1] =	stream.indirect_vreg.gather [hbm4b:s6+s2], $0x80, v3, vm0, $0xb8;
	[tilespmem:$0x18200] =	vst v63  }
0x1e1: {  	s9 =	simm.s32 $0x7200;
	s22 =	simm.s32 $0x0  }
0x1e2: {  	[tilespmem:s9], [sflag:$0x1] =	stream.indirect_vreg.gather [hbm4b:s7+s2], $0x80, v3, vm0, $0xb8;
	[tilespmem:$0x18200] =	vst v63  }
0x1e3: {  	s0 =	sand.u32 $0x6000, s22  }
0x1e4: {  	[tilespmem:s12], [sflag:$0x1] =	stream.indirect_vreg.gather [hbm4b:s8+s2], $0x80, v3, vm0, $0xb8;
	[tilespmem:$0x18200] =	vst v63  }
0x1e5: {  	s23 =	simm.s32 $0x0;
	s2 =	sand.u32 $0x1C00, s2;
	_ =	swait.ge [sflag:s20], $0x8000  }
0x1e6: {  	s5 =	sand.u32 $0x380, s23;
	s0 =	sor.u32 s2, s0;
	[sflag:s20] =	ssyncset.done $0x0  }
0x1e7: {  	s5 =	sor.u32 s0, s5;
	[sflag:s20] =	ssyncadd.s32 $0xFFFF8000  }
0x1e8: {  	v3 =	vld [tilespmem:s5+$0x8270]  }
0x1e9: {  	v4 =	vld [tilespmem:s5+$0x8200]  }
0x1ea: {  	v5 =	vld [tilespmem:s5+$0x8210]  }
0x1eb: {  	v6 =	vld [tilespmem:s5+$0x8220]  }
0x1ec: {  	s24 =	simm.s32 $0x80;
	s2 =	simm.s32 $0x400;
	v8 =	vld [tilespmem:s5+$0x8230]  }
0x1ed: {  	s30 =	simm.s32 $0x10;
	s0 =	sand.u32 $0x6000, s24;
	s9 =	sand.u32 $0x1C00, s2;
	v10 =	vld [tilespmem:s5+$0x8240];
	v3 =	vmul.f32 $3.200000000e+01, v3  }
0x1ee: {  	s31 =	sand.u32 $0x380, s30;
	s0 =	sor.u32 s9, s0;
	v7 =	vld [tilespmem:s5+$0x8250];
	v4 =	vmul.f32 $3.200000000e+01, v4  }
0x1ef: {  	s22 =	sor.u32 s0, s31;
	v9 =	vmul.f32 $3.200000000e+01, v5;
	v5 =	vld [tilespmem:s5+$0x8260];
	[tilespmem:s5+$0x8270] =	vst v3  }
0x1f0: {  	v11 =	vmul.f32 $3.200000000e+01, v6;
	v3 =	vld [tilespmem:s22+$0x8270];
	[tilespmem:s5+$0x8200] =	vst v4  }
0x1f1: {  	v4 =	vld [tilespmem:s22+$0x8200];
	[tilespmem:s5+$0x8210] =	vst v9;
	v9 =	vmul.f32 $3.200000000e+01, v8  }
0x1f2: {  	s0 =	simm.s32 $0x8;
	v6 =	vld [tilespmem:s22+$0x8210];
	[tilespmem:s5+$0x8220] =	vst v11;
	v8 =	vmul.f32 $3.200000000e+01, v10  }
.LBB2_11:
0x1f3: {  	s0 =	sadd.s32 $0x8, s0;
	v10 =	vld [tilespmem:s22+$0x8220];
	[tilespmem:s5+$0x8230] =	vst v9;
	v7 =	vmul.f32 $3.200000000e+01, v7  }
0x1f4: {  	s2 =	sadd.s32 $0x400, s2;
	s9 =	sshll.u32 s0, $0x4;
	p0 =	slt.u32 s0, $0x7F8;
	v9 =	vld [tilespmem:s22+$0x8230];
	[tilespmem:s5+$0x8240] =	vst v8;
	v5 =	vmul.f32 $3.200000000e+01, v5  }
0x1f5: {  	s23 =	sand.u32 $0x1C00, s2;
	s24 =	sshll.u32 s0, $0x1;
	s9 =	sand.u32 $0x6000, s9;
	v8 =	vld [tilespmem:s22+$0x8240];
	v3 =	vmul.f32 $3.200000000e+01, v3;
	[tilespmem:s5+$0x8250] =	vst v7  }
.Ltmp4:
0x1f6: {  	s24 =	sand.u32 $0x380, s24;
	s9 =	sor.u32 s23, s9;
	v4 =	vmul.f32 $3.200000000e+01, v4;
	v7 =	vld [tilespmem:s22+$0x8250];
	[tilespmem:s5+$0x8260] =	vst v5;
	(pc) =	sbr.rel @p0 .LBB2_11-.Ltmp4, $4  }
0x1f7: {  	s5 =	smov.u32 s22;
	v6 =	vmul.f32 $3.200000000e+01, v6;
	v5 =	vld [tilespmem:s22+$0x8260];
	[tilespmem:s22+$0x8270] =	vst v3;
	s22 =	sor.u32 s9, s24  }
0x1f8: {  	v3 =	vld [tilespmem:s22+$0x8270];
	[tilespmem:s5+$0x8200] =	vst v4;
	v10 =	vmul.f32 $3.200000000e+01, v10  }
0x1f9: {  	v4 =	vld [tilespmem:s22+$0x8200];
	[tilespmem:s5+$0x8210] =	vst v6;
	v9 =	vmul.f32 $3.200000000e+01, v9  }
0x1fa: {  	v6 =	vld [tilespmem:s22+$0x8210];
	[tilespmem:s5+$0x8220] =	vst v10;
	v8 =	vmul.f32 $3.200000000e+01, v8  }
0x1fb: {  	v10 =	vld [tilespmem:s22+$0x8220];
	[tilespmem:s5+$0x8230] =	vst v9;
	v7 =	vmul.f32 $3.200000000e+01, v7  }
0x1fc: {  	v57 =	vld [tilespmem:s22+$0x8230];
	[tilespmem:s5+$0x8240] =	vst v8;
	v5 =	vmul.f32 $3.200000000e+01, v5  }
0x1fd: {  	v58 =	vld [tilespmem:s22+$0x8240];
	v3 =	vmul.f32 $3.200000000e+01, v3;
	[tilespmem:s5+$0x8250] =	vst v7  }
0x1fe: {  	v59 =	vld [tilespmem:s22+$0x8250];
	v4 =	vmul.f32 $3.200000000e+01, v4;
	[tilespmem:s5+$0x8260] =	vst v5  }
0x1ff: {  	v61 =	vld [tilespmem:s22+$0x8260];
	v60 =	vmul.f32 $3.200000000e+01, v6;
	[tilespmem:s22+$0x8270] =	vst v3  }
0x200: {  	[tilespmem:s22+$0x8200] =	vst v4;
	v3 =	vmul.f32 $3.200000000e+01, v10  }
0x201: {  	s29 =	sadd.s32 $0x1, s29;
	v62 =	vmul.f32 $3.200000000e+01, v57;
	[tilespmem:s22+$0x8210] =	vst v60  }
0x202: {  	p0 =	sne.s32 s29, $0x4;
	[tilespmem:s22+$0x8220] =	vst v3;
	v3 =	vmul.f32 $3.200000000e+01, v58  }
.Ltmp5:
0x203: {  	v63 =	vmul.f32 $3.200000000e+01, v59;
	[tilespmem:s22+$0x8230] =	vst v62;
	(pc) =	sbr.rel @p0 .LBB2_6-.Ltmp5, $4  }
0x204: {  	s0 =	sadd.s32 s10, s17;
	[tilespmem:s22+$0x8240] =	vst v3;
	v3 =	vmul.f32 $3.200000000e+01, v61  }
0x205: {  	s0 =	sshll.u32 s0, $0x7;
	[tilespmem:s22+$0x8250] =	vst v63  }
0x206: {  	s0 =	sadd.s32 s3, s0;
	[tilespmem:s22+$0x8260] =	vst v3  }
0x207: {  	[hbm4b:s0+s4] =	stream.linear.scatter [tilespmem:s15], [sflag:$0x5], $0x8000, $0x38;
	[tilespmem:$0x18200] =	vst v63  }
0x208: {  	_ =	swait.ge [sflag:s18], $0x8000;
	s0 =	simm.s32 $0x0;
	s2 =	simm.s32 $0x0  }
0x209: {  	s5 =	simm.s32 $0x0;
	s2 =	sand.u32 $0x6000, s2;
	s0 =	sand.u32 $0x1C00, s0  }
0x20a: {  	[sflag:s18] =	ssyncset.done $0x0;
	s5 =	sand.u32 $0x380, s5;
	s0 =	sor.u32 s0, s2  }
0x20b: {  	[sflag:s18] =	ssyncadd.s32 $0xFFFF8000;
	s0 =	sor.u32 s0, s5  }
0x20c: {  	s17 =	sadd.s32 $0x10200, s0;
	v3 =	vld [tilespmem:s0+$0x10200]  }
0x20d: {  	v4 =	vld [tilespmem:s17+$0x70]  }
0x20e: {  	v6 =	vld [tilespmem:s17+$0x10]  }
0x20f: {  	v8 =	vld [tilespmem:s17+$0x20]  }
0x210: {  	s31 =	simm.s32 $0x80;
	s2 =	simm.s32 $0x400;
	v9 =	vld [tilespmem:s17+$0x30]  }
0x211: {  	s21 =	simm.s32 $0x10;
	s5 =	sand.u32 $0x6000, s31;
	s9 =	sand.u32 $0x1C00, s2;
	v10 =	vld [tilespmem:s17+$0x40];
	v3 =	vmul.f32 $3.200000000e+01, v3  }
0x212: {  	s21 =	sand.u32 $0x380, s21;
	s5 =	sor.u32 s9, s5;
	v5 =	vld [tilespmem:s17+$0x50];
	v4 =	vmul.f32 $3.200000000e+01, v4  }
0x213: {  	s21 =	sor.u32 s5, s21;
	v11 =	vmul.f32 $3.200000000e+01, v6;
	v6 =	vld [tilespmem:s17+$0x60];
	[tilespmem:s0+$0x10200] =	vst v3  }
0x214: {  	s5 =	sadd.s32 $0x10200, s21;
	v7 =	vld [tilespmem:s21+$0x10200];
	v8 =	vmul.f32 $3.200000000e+01, v8;
	[tilespmem:s17+$0x70] =	vst v4  }
0x215: {  	v9 =	vmul.f32 $3.200000000e+01, v9;
	v3 =	vld [tilespmem:s5+$0x70];
	[tilespmem:s17+$0x10] =	vst v11  }
0x216: {  	s0 =	simm.s32 $0x8;
	v4 =	vld [tilespmem:s5+$0x10];
	[tilespmem:s17+$0x20] =	vst v8;
	v8 =	vmul.f32 $3.200000000e+01, v10  }
.LBB2_14:
0x217: {  	s0 =	sadd.s32 $0x8, s0;
	v10 =	vld [tilespmem:s5+$0x20];
	[tilespmem:s17+$0x30] =	vst v9;
	v5 =	vmul.f32 $3.200000000e+01, v5  }
0x218: {  	s2 =	sadd.s32 $0x400, s2;
	s9 =	sshll.u32 s0, $0x4;
	p0 =	slt.u32 s0, $0x7F8;
	v9 =	vld [tilespmem:s5+$0x30];
	[tilespmem:s17+$0x40] =	vst v8;
	v6 =	vmul.f32 $3.200000000e+01, v6  }
0x219: {  	s22 =	sand.u32 $0x1C00, s2;
	s23 =	sshll.u32 s0, $0x1;
	s9 =	sand.u32 $0x6000, s9;
	v7 =	vmul.f32 $3.200000000e+01, v7;
	v8 =	vld [tilespmem:s5+$0x40];
	[tilespmem:s17+$0x50] =	vst v5  }
.Ltmp6:
0x21a: {  	s23 =	sand.u32 $0x380, s23;
	s9 =	sor.u32 s22, s9;
	v5 =	vld [tilespmem:s5+$0x50];
	v3 =	vmul.f32 $3.200000000e+01, v3;
	[tilespmem:s17+$0x60] =	vst v6;
	(pc) =	sbr.rel @p0 .LBB2_14-.Ltmp6, $4  }
0x21b: {  	s17 =	smov.u32 s5;
	[tilespmem:s21+$0x10200] =	vst v7;
	s21 =	sor.u32 s9, s23;
	v4 =	vmul.f32 $3.200000000e+01, v4;
	v6 =	vld [tilespmem:s5+$0x60]  }
0x21c: {  	s5 =	sadd.s32 $0x10200, s21;
	v7 =	vld [tilespmem:s21+$0x10200];
	v10 =	vmul.f32 $3.200000000e+01, v10;
	[tilespmem:s17+$0x70] =	vst v3  }
0x21d: {  	v3 =	vld [tilespmem:s5+$0x70];
	[tilespmem:s17+$0x10] =	vst v4;
	v9 =	vmul.f32 $3.200000000e+01, v9  }
0x21e: {  	v4 =	vld [tilespmem:s5+$0x10];
	[tilespmem:s17+$0x20] =	vst v10;
	v8 =	vmul.f32 $3.200000000e+01, v8  }
0x21f: {  	v10 =	vld [tilespmem:s5+$0x20];
	[tilespmem:s17+$0x30] =	vst v9;
	v5 =	vmul.f32 $3.200000000e+01, v5  }
0x220: {  	v9 =	vld [tilespmem:s5+$0x30];
	[tilespmem:s17+$0x40] =	vst v8;
	v6 =	vmul.f32 $3.200000000e+01, v6  }
0x221: {  	v8 =	vld [tilespmem:s5+$0x40];
	v7 =	vmul.f32 $3.200000000e+01, v7;
	[tilespmem:s17+$0x50] =	vst v5  }
0x222: {  	v5 =	vld [tilespmem:s5+$0x50];
	v3 =	vmul.f32 $3.200000000e+01, v3;
	[tilespmem:s17+$0x60] =	vst v6  }
0x223: {  	v6 =	vld [tilespmem:s5+$0x60];
	[tilespmem:s21+$0x10200] =	vst v7;
	v4 =	vmul.f32 $3.200000000e+01, v4  }
0x224: {  	v7 =	vmul.f32 $3.200000000e+01, v10;
	[tilespmem:s5+$0x70] =	vst v3  }
0x225: {  	v3 =	vmul.f32 $3.200000000e+01, v9;
	[tilespmem:s5+$0x10] =	vst v4  }
0x226: {  	v4 =	vmul.f32 $3.200000000e+01, v8;
	[tilespmem:s5+$0x20] =	vst v7  }
0x227: {  	[tilespmem:s5+$0x30] =	vst v3;
	v3 =	vmul.f32 $3.200000000e+01, v5  }
0x228: {  	[tilespmem:s5+$0x40] =	vst v4;
	v4 =	vmul.f32 $3.200000000e+01, v6  }
0x229: {  	[tilespmem:s5+$0x50] =	vst v3  }
0x22a: {  	s0 =	simm.s32 $0x0;
	[tilespmem:s5+$0x60] =	vst v4  }
0x22b: {  	s24 =	simm.s32 $0x0;
	s29 =	simm.s32 $0x0;
	s2 =	rddreg [dreg:$0x8]  }
0x22c: {  	[hbm4b:s2+s0] =	stream.linear.scatter [tilespmem:s16], [sflag:$0x6], $0x8000, $0x38;
	[tilespmem:$0x18200] =	vst v63  }
0x22d: {  	s2 =	sand.u32 $0x6000, s24;
	s0 =	sand.u32 $0x1C00, s0;
	_ =	swait.ge [sflag:s11], $0x8000  }
0x22e: {  	s5 =	sand.u32 $0x380, s29;
	s0 =	sor.u32 s0, s2;
	[sflag:s11] =	ssyncset.done $0x0  }
0x22f: {  	s5 =	sor.u32 s0, s5;
	[sflag:s11] =	ssyncadd.s32 $0xFFFF8000  }
0x230: {  	v3 =	vld [tilespmem:s5+$0x270]  }
0x231: {  	v4 =	vld [tilespmem:s5+$0x200]  }
0x232: {  	v5 =	vld [tilespmem:s5+$0x210]  }
0x233: {  	v6 =	vld [tilespmem:s5+$0x220]  }
0x234: {  	s30 =	simm.s32 $0x80;
	s2 =	simm.s32 $0x400;
	v8 =	vld [tilespmem:s5+$0x230]  }
0x235: {  	s31 =	simm.s32 $0x10;
	s0 =	sand.u32 $0x6000, s30;
	s9 =	sand.u32 $0x1C00, s2;
	v10 =	vld [tilespmem:s5+$0x240];
	v3 =	vmul.f32 $3.200000000e+01, v3  }
0x236: {  	s17 =	sand.u32 $0x380, s31;
	s0 =	sor.u32 s9, s0;
	v7 =	vld [tilespmem:s5+$0x250];
	v4 =	vmul.f32 $3.200000000e+01, v4  }
0x237: {  	s17 =	sor.u32 s0, s17;
	v9 =	vmul.f32 $3.200000000e+01, v5;
	v5 =	vld [tilespmem:s5+$0x260];
	[tilespmem:s5+$0x270] =	vst v3  }
0x238: {  	v11 =	vmul.f32 $3.200000000e+01, v6;
	v3 =	vld [tilespmem:s17+$0x270];
	[tilespmem:s5+$0x200] =	vst v4  }
0x239: {  	v4 =	vld [tilespmem:s17+$0x200];
	[tilespmem:s5+$0x210] =	vst v9;
	v9 =	vmul.f32 $3.200000000e+01, v8  }
0x23a: {  	s0 =	simm.s32 $0x8;
	v6 =	vld [tilespmem:s17+$0x210];
	[tilespmem:s5+$0x220] =	vst v11;
	v8 =	vmul.f32 $3.200000000e+01, v10  }
.LBB2_16:
0x23b: {  	s0 =	sadd.s32 $0x8, s0;
	v10 =	vld [tilespmem:s17+$0x220];
	[tilespmem:s5+$0x230] =	vst v9;
	v7 =	vmul.f32 $3.200000000e+01, v7  }
0x23c: {  	s2 =	sadd.s32 $0x400, s2;
	s9 =	sshll.u32 s0, $0x4;
	p0 =	slt.u32 s0, $0x7F8;
	v9 =	vld [tilespmem:s17+$0x230];
	[tilespmem:s5+$0x240] =	vst v8;
	v5 =	vmul.f32 $3.200000000e+01, v5  }
0x23d: {  	s21 =	sand.u32 $0x1C00, s2;
	s22 =	sshll.u32 s0, $0x1;
	s9 =	sand.u32 $0x6000, s9;
	v8 =	vld [tilespmem:s17+$0x240];
	v3 =	vmul.f32 $3.200000000e+01, v3;
	[tilespmem:s5+$0x250] =	vst v7  }
.Ltmp7:
0x23e: {  	s22 =	sand.u32 $0x380, s22;
	s9 =	sor.u32 s21, s9;
	v4 =	vmul.f32 $3.200000000e+01, v4;
	v7 =	vld [tilespmem:s17+$0x250];
	[tilespmem:s5+$0x260] =	vst v5;
	(pc) =	sbr.rel @p0 .LBB2_16-.Ltmp7, $4  }
0x23f: {  	s5 =	smov.u32 s17;
	v6 =	vmul.f32 $3.200000000e+01, v6;
	v5 =	vld [tilespmem:s17+$0x260];
	[tilespmem:s17+$0x270] =	vst v3;
	s17 =	sor.u32 s9, s22  }
0x240: {  	v3 =	vld [tilespmem:s17+$0x270];
	[tilespmem:s5+$0x200] =	vst v4;
	v10 =	vmul.f32 $3.200000000e+01, v10  }
0x241: {  	v4 =	vld [tilespmem:s17+$0x200];
	[tilespmem:s5+$0x210] =	vst v6;
	v9 =	vmul.f32 $3.200000000e+01, v9  }
0x242: {  	v6 =	vld [tilespmem:s17+$0x210];
	[tilespmem:s5+$0x220] =	vst v10;
	v8 =	vmul.f32 $3.200000000e+01, v8  }
0x243: {  	v10 =	vld [tilespmem:s17+$0x220];
	[tilespmem:s5+$0x230] =	vst v9;
	v7 =	vmul.f32 $3.200000000e+01, v7  }
0x244: {  	v57 =	vld [tilespmem:s17+$0x230];
	[tilespmem:s5+$0x240] =	vst v8;
	v5 =	vmul.f32 $3.200000000e+01, v5  }
0x245: {  	v58 =	vld [tilespmem:s17+$0x240];
	v3 =	vmul.f32 $3.200000000e+01, v3;
	[tilespmem:s5+$0x250] =	vst v7  }
0x246: {  	v59 =	vld [tilespmem:s17+$0x250];
	v4 =	vmul.f32 $3.200000000e+01, v4;
	[tilespmem:s5+$0x260] =	vst v5  }
0x247: {  	v61 =	vld [tilespmem:s17+$0x260];
	v60 =	vmul.f32 $3.200000000e+01, v6;
	[tilespmem:s17+$0x270] =	vst v3  }
0x248: {  	[tilespmem:s17+$0x200] =	vst v4;
	v3 =	vmul.f32 $3.200000000e+01, v10  }
0x249: {  	v62 =	vmul.f32 $3.200000000e+01, v57;
	[tilespmem:s17+$0x210] =	vst v60  }
0x24a: {  	[tilespmem:s17+$0x220] =	vst v3;
	v3 =	vmul.f32 $3.200000000e+01, v58  }
0x24b: {  	v63 =	vmul.f32 $3.200000000e+01, v59;
	[tilespmem:s17+$0x230] =	vst v62  }
0x24c: {  	[tilespmem:s17+$0x240] =	vst v3;
	v3 =	vmul.f32 $3.200000000e+01, v61  }
0x24d: {  	[tilespmem:s17+$0x250] =	vst v63  }
0x24e: {  	[tilespmem:s17+$0x260] =	vst v3  }
0x24f: {  	s0 =	rddreg [dreg:$0x9]  }
0x250: {  	[hbm4b:s0+s4] =	stream.linear.scatter [tilespmem:s19], [sflag:$0x4], $0x8000, $0x38;
	[tilespmem:$0x18200] =	vst v63  }
0x251: {  	_ =	swait.ge [sflag:s26], $0x8000  }
0x252: {  	[sflag:s26] =	ssyncset.done $0x0  }
0x253: {  	[sflag:s26] =	ssyncadd.s32 $0xFFFF8000  }
0x254: {  	_ =	swait.ge [sflag:s28], $0x8000  }
0x255: {  	[sflag:s28] =	ssyncset.done $0x0  }
0x256: {  	[sflag:s28] =	ssyncadd.s32 $0xFFFF8000  }
0x257: {  	_ =	swait.ge [sflag:s25], $0x8000  }
0x258: {  	s2 =	rddreg [dreg:$0xb]  }
0x259: {  	s31 =	rddreg [dreg:$0xa];
	s2 =	sadd.s32 $0x1, s2  }
0x25a: {  	p0 =	sne.s32 s2, s31  }
.Ltmp8:
0x25b: {  	_ = 	snop;
	(pc) =	sbr.rel @p0 .LBB2_1-.Ltmp8, $3  }
0x25c: {  	_ =	sdelay $0x1  }
0x25d: {  	[sflag:s25] =	ssyncset.done $0x0  }
0x25e: {  	[sflag:s25] =	ssyncadd.s32 $0xFFFF8000  }
0x25f: {  	_ =	sfence.sel $0x180000  }
0x260: {  	[bflag:$0x0] =	sbarrier.arrive $0xFFFF  }
0x261: {  	_ =	strace $0x90000047  }
0x262: {  	s0 =	stileid.u32;
	[bflag:$0x2] =	sbarrier.arrive $0xFFFF  }
0x263: {  	p0 =	sne.s32 s0, $0x0;
	s0 =	rddreg [dreg:$0x3]  }
0x264: {  	s0 =	sadd.s32 @!p0 $0x100000, s0  }
0x265: {  	[sflag:s0] =	ssyncadd.tile.s32 @!p0 $0x1;
	_ =	shalt  }
.Lfunc_end2:
_tile_overlayer_lowered:
.L_overlay_start_2:
0x266: {  	(tag) =	ssettag $0x2  }
0x267: {  	s0 =	rddreg [dreg:$0x0];
	s2 =	stileid.u32  }
0x268: {  	s1 =	rddreg [dreg:$0x1];
	p0 =	sne.s32 s2, $0x0  }
0x269: {  	s3 =	rddreg [dreg:$0x2];
	[bflag:$0x3] =	sbarrier.arrive $0xFFFF;
	s2 =	simm.s32 @!p0 $0x1C07  }
0x26a: {  	[timem:s3], [sflag:s2] =	dma.local @!p0 [hbm:s0], s1  }
0x26b: {  	s0 =	simm.s32 @!p0 $0x7  }
0x26c: {  	_ =	swait.ge @!p0 [sflag:s0], s1  }
0x26d: {  	s1 =	ssub.s32 @!p0 $0x0, s1;
	[sflag:s0] =	ssyncset.done @!p0 $0x0  }
0x26e: {  	[sflag:s0] =	ssyncadd.s32 @!p0 s1  }
0x26f: {  	[bflag:$0x3] =	sbarrier.arrive $0xFFFF  }
0x270: {  	_ =	shalt  }

</sc_bundles>
